<compile_context>
chip_gen: v7x
topology: tpu7x:2x2x1
jax: 0.10.2.dev20260603
libtpu: 0.0.44.dev20260713+nightly
codegen_flags: <defaults>
</compile_context>

<pallas_src>
import functools

import jax
import jax.numpy as jnp
from jax import lax
from jax.experimental import pallas as pl
from jax.experimental.pallas import tpu as pltpu
from jax.experimental.pallas import tpu_sc as plsc

VOCAB = 1000000
D = 64
S = 200
B = 4096
N = B * S
NC, NS = 2, 16
NW = NC * NS
BL = 128
NBB = B // BL
NCHUNK = S * NBB
PER_W = NCHUNK // NW


def _add_pos(rows_v, pos_v, s):
    iota = lax.iota(jnp.int32, 16)
    pvecs = [plsc.load_gather(pos_v, [s * D + g * 16 + iota])
             for g in range(4)]

    def rstep(r, carry):
        rvec = jnp.full((16,), r, jnp.int32)
        for g in range(4):
            dv = g * 16 + iota
            v = plsc.load_gather(rows_v, [rvec, dv])
            plsc.store_scatter(rows_v, [rvec, dv], v + pvecs[g])
        return carry

    lax.fori_loop(0, BL, rstep, 0, unroll=2)


def _body(xt_hbm, tok_hbm, pos_hbm, out_hbm,
          idx, rows, pos_v, sem_g, sem_w):
    wid = lax.axis_index("s") * NC + lax.axis_index("c")
    base = wid * PER_W
    pltpu.sync_copy(pos_hbm, pos_v)

    def stage(k, j):
        pltpu.sync_copy(xt_hbm.at[pl.ds((base + k) * BL, BL)], idx[j])
        pltpu.async_copy(tok_hbm.at[idx[j]], rows[j], sem_g[j])

    stage(0, 0)

    def pair(p, carry):
        for j in range(2):
            k = 2 * p + j

            @pl.when(k + 1 < PER_W)
            def _():
                stage(k + 1, 1 - j)

            pltpu.make_async_copy(tok_hbm.at[idx[j]], rows[j], sem_g[j]).wait()
            c = base + k
            s = c // NBB
            bb = lax.rem(c, NBB)
            _add_pos(rows[j], pos_v, s)
            pltpu.async_copy(rows[j], out_hbm.at[s, bb], sem_w)
            pltpu.make_async_copy(rows[j], out_hbm.at[s, bb], sem_w).wait()
        return carry

    lax.fori_loop(0, PER_W // 2, pair, 0)


@jax.jit
def _embed(xt_flat, tab, position_table):
    mesh = plsc.VectorSubcoreMesh(core_axis_name="c", subcore_axis_name="s")
    k = functools.partial(
        pl.kernel,
        mesh=mesh,
        out_type=jax.ShapeDtypeStruct((S, NBB, BL, D), jnp.float32),
        scratch_types=[
            [pltpu.VMEM((BL,), jnp.int32) for _ in range(2)],
            [pltpu.VMEM((BL, D), jnp.float32) for _ in range(2)],
            pltpu.VMEM((S * D,), jnp.float32),
            [pltpu.SemaphoreType.DMA for _ in range(2)],
            pltpu.SemaphoreType.DMA,
        ],
        compiler_params=pltpu.CompilerParams(
            use_tc_tiling_on_sc=False, needs_layout_passes=False),
    )(_body)
    return k(xt_flat, tab, position_table.reshape(-1))


TCB = 2048


def _detile_body(l_ref, r_ref, o_ref):
    eye = jnp.eye(D, dtype=jnp.float32)
    dn = (((0,), (0,)), ((), ()))
    o_ref[:, 0:D] = jax.lax.dot_general(
        l_ref[...], eye, dn, preferred_element_type=jnp.float32)
    o_ref[:, D:2 * D] = jax.lax.dot_general(
        r_ref[...], eye, dn, preferred_element_type=jnp.float32)


def _detile_table(token_table):
    nblk = -(-VOCAB // (2 * TCB))
    tt = jnp.pad(token_table.T, ((0, 0), (0, 2 * nblk * TCB - VOCAB)))
    packed = pl.pallas_call(
        _detile_body,
        grid=(nblk,),
        in_specs=[
            pl.BlockSpec((D, TCB), lambda i: (0, 2 * i)),
            pl.BlockSpec((D, TCB), lambda i: (0, 2 * i + 1)),
        ],
        out_specs=pl.BlockSpec((TCB, 2 * D), lambda i: (i, 0)),
        out_shape=jax.ShapeDtypeStruct((nblk * TCB, 2 * D), jnp.float32),
    )(tt, tt)
    return packed.reshape(2 * nblk * TCB, D)


def kernel(x, token_table, position_table):
    t = x.T.reshape(-1).astype(jnp.int32)
    t = ((t >> 12) << 12) | ((t & 2047) << 1) | ((t >> 11) & 1)
    tab = _detile_table(token_table)
    out4 = _embed(t, tab, position_table)
    return out4.transpose(1, 2, 0, 3).reshape(B, S, D)

# --- scband reference (transcript-rebuilt; emitter-appended) ---
"""Pipeline reference for scband-embedding-layer-11879879544303 (READ-ONLY COPY).

The authoritative reference and input builder live on the scoring server;
editing this copy changes nothing except your own understanding.
"""

import jax, jax.numpy as jnp
import numpy as np

VOCAB_SIZE = 1000000
EMBED_DIM = 64
MAX_LEN = 200
BATCH = 4096
SEQ_LEN = 200


def setup_inputs(seed: int = 0) -> dict:
    key = jax.random.key(seed)
    k_x, k_tok, k_pos = jax.random.split(key, 3)
    x = jax.random.randint(k_x, (BATCH, SEQ_LEN), 0, VOCAB_SIZE, dtype=jnp.int64 if jax.config.jax_enable_x64 else jnp.int32)
    token_table = jax.random.normal(k_tok, (VOCAB_SIZE, EMBED_DIM), dtype=jnp.float32)
    position_table = jax.random.normal(k_pos, (MAX_LEN, EMBED_DIM), dtype=jnp.float32)
    return {"x": x, "token_table": token_table, "position_table": position_table}


def reference(x, token_table, position_table):
    batch_size, seq_len = x.shape
    positions = jnp.arange(0, seq_len)  # [S]
    positions = jnp.broadcast_to(positions[None, :], (batch_size, seq_len))  # [B, S]
    token_embeds = jnp.take(token_table, x, axis=0)          # [B, S, D] gather
    position_embeds = jnp.take(position_table, positions, axis=0)  # [B, S, D] gather
    return token_embeds + position_embeds

if __name__ == "__main__":
    import jax
    _d = setup_inputs()
    print(jax.jit(kernel)(*tuple(_d.values())))

</pallas_src>

<mosaic_0001>
#map = affine_map<(d0, d1) -> (0)>
#map1 = affine_map<(d0, d1) -> (0, 0)>
#map2 = affine_map<(d0, d1) -> (0, 0, 0, 0)>
module attributes {stable_mosaic.version = 14 : i64} {
  func.func @_body(%arg0: i32, %arg1: i32, %arg2: memref<819200xi32, #tpu.memory_space<hbm>>, %arg3: memref<1003520x64xf32, #tpu.memory_space<hbm>>, %arg4: memref<12800xf32, #tpu.memory_space<hbm>>, %arg5: memref<200x32x128x64xf32, #tpu.memory_space<hbm>>, %arg6: memref<128xi32, #tpu.memory_space<vmem>>, %arg7: memref<128xi32, #tpu.memory_space<vmem>>, %arg8: memref<128x64xf32, #tpu.memory_space<vmem>>, %arg9: memref<128x64xf32, #tpu.memory_space<vmem>>, %arg10: memref<12800xf32, #tpu.memory_space<vmem>>, %arg11: memref<!tpu.dma_semaphore, #tpu.memory_space<semaphore_mem>>, %arg12: memref<!tpu.dma_semaphore, #tpu.memory_space<semaphore_mem>>, %arg13: memref<!tpu.dma_semaphore, #tpu.memory_space<semaphore_mem>>) attributes {dimension_semantics = [#tpu.dimension_semantics<core_parallel>, #tpu.dimension_semantics<subcore_parallel>], iteration_bounds = array<i64: 2, 16>, scalar_prefetch = 0 : i64, scratch_operands = 8 : i64, tpu.core_type = #tpu.core_type<sc_vector_subcore>, window_params = [{transform_indices = #map}, {transform_indices = #map1}, {transform_indices = #map}, {transform_indices = #map2}]} {
    %mul3A = arith.constant 2 : i32
    %mul3A_0 = arith.muli %arg1, %mul3A : i32
    %add3A = arith.addi %mul3A_0, %arg0 : i32
    %mul3A_1 = arith.constant 200 : i32
    %mul3A_2 = arith.muli %add3A, %mul3A_1 : i32
    "tpu.region"() ({
      %run_scoped3A = tpu.sem_alloc : memref<!tpu.dma_semaphore, #tpu.memory_space<semaphore_mem>>
      tpu.enqueue_dma source(%arg4 : memref<12800xf32, #tpu.memory_space<hbm>>) target(%arg10 : memref<12800xf32, #tpu.memory_space<vmem>>) target_semaphore(%run_scoped3A : memref<!tpu.dma_semaphore, #tpu.memory_space<semaphore_mem>>)
      tpu.wait_dma2 semaphore(%run_scoped3A : memref<!tpu.dma_semaphore, #tpu.memory_space<semaphore_mem>>) src(%arg4 : memref<12800xf32, #tpu.memory_space<hbm>>) dst(%arg10 : memref<12800xf32, #tpu.memory_space<vmem>>)
      tpu.yield
    }) : () -> ()
    %add3A_3 = arith.constant 0 : i32
    %add3A_4 = arith.addi %mul3A_2, %add3A_3 : i32
    %mul3A_5 = arith.constant 128 : i32
    %mul3A_6 = arith.muli %add3A_4, %mul3A_5 : i32
    "tpu.region"() ({
      %run_scoped3A = tpu.sem_alloc : memref<!tpu.dma_semaphore, #tpu.memory_space<semaphore_mem>>
      %dma_start3A_14 = tpu.memref_slice %arg2[%mul3A_6] : memref<819200xi32, #tpu.memory_space<hbm>> -> memref<128xi32, #tpu.memory_space<hbm>>
      %dma_start3A_15 = tpu.memref_slice %arg2[%mul3A_6] : memref<819200xi32, #tpu.memory_space<hbm>> -> memref<128xi32, #tpu.memory_space<hbm>>
      tpu.enqueue_dma source(%dma_start3A_15 : memref<128xi32, #tpu.memory_space<hbm>>) target(%arg6 : memref<128xi32, #tpu.memory_space<vmem>>) target_semaphore(%run_scoped3A : memref<!tpu.dma_semaphore, #tpu.memory_space<semaphore_mem>>)
      %dma_wait3A = tpu.memref_slice %arg2[%mul3A_6] : memref<819200xi32, #tpu.memory_space<hbm>> -> memref<128xi32, #tpu.memory_space<hbm>>
      %dma_wait3A_16 = tpu.memref_slice %arg2[%mul3A_6] : memref<819200xi32, #tpu.memory_space<hbm>> -> memref<128xi32, #tpu.memory_space<hbm>>
      tpu.wait_dma2 semaphore(%run_scoped3A : memref<!tpu.dma_semaphore, #tpu.memory_space<semaphore_mem>>) src(%dma_wait3A_16 : memref<128xi32, #tpu.memory_space<hbm>>) dst(%arg6 : memref<128xi32, #tpu.memory_space<vmem>>)
      tpu.yield
    }) : () -> ()
    %dma_start3A = arith.constant 0 : i32
    %dma_start3A_7 = arith.constant 0 : i32
    %dma_start3A_8 = tpu.memref_slice %arg3[%dma_start3A, %dma_start3A_7] : memref<1003520x64xf32, #tpu.memory_space<hbm>> -> memref<1003520x64xf32, #tpu.memory_space<hbm>>
    tpu.enqueue_indirect_dma source(%dma_start3A_8 : memref<1003520x64xf32, #tpu.memory_space<hbm>>) target(%arg8 : memref<128x64xf32, #tpu.memory_space<vmem>>) offsets(%arg6 : memref<128xi32, #tpu.memory_space<vmem>>) semaphore(%arg11 : memref<!tpu.dma_semaphore, #tpu.memory_space<semaphore_mem>>)
    %scan3A = arith.constant 0 : i32
    %scan3A_9 = arith.constant 0 : i32
    %scan3A_10 = arith.constant 100 : i32
    %scan3A_11 = arith.addi %scan3A_9, %scan3A_10 : i32
    %scan3A_12 = arith.constant 1 : i32
    scf.for %scan3A_14 = %scan3A_9 to %scan3A_11 step %scan3A_12  : i32 {
      %mul3A_15 = arith.constant 2 : i32
      %mul3A_16 = arith.muli %mul3A_15, %scan3A_14 : i32
      %add3A_17 = arith.constant 0 : i32
      %add3A_18 = arith.addi %mul3A_16, %add3A_17 : i32
      %add3A_19 = arith.constant 1 : i32
      %add3A_20 = arith.addi %add3A_18, %add3A_19 : i32
      %lt3A = arith.constant 200 : i32
      %lt3A_21 = arith.cmpi slt, %add3A_20, %lt3A : i32
      %convert_element_type3A = arith.extui %lt3A_21 : i1 to i32
      %cond3A = arith.constant 0 : i32
      %cond3A_22 = arith.cmpi ne, %convert_element_type3A, %cond3A : i32
      scf.if %cond3A_22 {
        %add3A_185 = arith.constant 1 : i32
        %add3A_186 = arith.addi %add3A_18, %add3A_185 : i32
        %add3A_187 = arith.addi %mul3A_2, %add3A_186 : i32
        %mul3A_188 = arith.constant 128 : i32
        %mul3A_189 = arith.muli %add3A_187, %mul3A_188 : i32
        "tpu.region"() ({
          %run_scoped3A = tpu.sem_alloc : memref<!tpu.dma_semaphore, #tpu.memory_space<semaphore_mem>>
          %dma_start3A_193 = tpu.memref_slice %arg2[%mul3A_189] : memref<819200xi32, #tpu.memory_space<hbm>> -> memref<128xi32, #tpu.memory_space<hbm>>
          %dma_start3A_194 = tpu.memref_slice %arg2[%mul3A_189] : memref<819200xi32, #tpu.memory_space<hbm>> -> memref<128xi32, #tpu.memory_space<hbm>>
          tpu.enqueue_dma source(%dma_start3A_194 : memref<128xi32, #tpu.memory_space<hbm>>) target(%arg7 : memref<128xi32, #tpu.memory_space<vmem>>) target_semaphore(%run_scoped3A : memref<!tpu.dma_semaphore, #tpu.memory_space<semaphore_mem>>)
          %dma_wait3A_195 = tpu.memref_slice %arg2[%mul3A_189] : memref<819200xi32, #tpu.memory_space<hbm>> -> memref<128xi32, #tpu.memory_space<hbm>>
          %dma_wait3A_196 = tpu.memref_slice %arg2[%mul3A_189] : memref<819200xi32, #tpu.memory_space<hbm>> -> memref<128xi32, #tpu.memory_space<hbm>>
          tpu.wait_dma2 semaphore(%run_scoped3A : memref<!tpu.dma_semaphore, #tpu.memory_space<semaphore_mem>>) src(%dma_wait3A_196 : memref<128xi32, #tpu.memory_space<hbm>>) dst(%arg7 : memref<128xi32, #tpu.memory_space<vmem>>)
          tpu.yield
        }) : () -> ()
        %dma_start3A_190 = arith.constant 0 : i32
        %dma_start3A_191 = arith.constant 0 : i32
        %dma_start3A_192 = tpu.memref_slice %arg3[%dma_start3A_190, %dma_start3A_191] : memref<1003520x64xf32, #tpu.memory_space<hbm>> -> memref<1003520x64xf32, #tpu.memory_space<hbm>>
        tpu.enqueue_indirect_dma source(%dma_start3A_192 : memref<1003520x64xf32, #tpu.memory_space<hbm>>) target(%arg9 : memref<128x64xf32, #tpu.memory_space<vmem>>) offsets(%arg7 : memref<128xi32, #tpu.memory_space<vmem>>) semaphore(%arg12 : memref<!tpu.dma_semaphore, #tpu.memory_space<semaphore_mem>>)
      } else {
      }
      %dma_wait3A = arith.constant 0 : i32
      %dma_wait3A_23 = arith.constant 0 : i32
      %dma_wait3A_24 = tpu.memref_slice %arg3[%dma_wait3A, %dma_wait3A_23] : memref<1003520x64xf32, #tpu.memory_space<hbm>> -> memref<1003520x64xf32, #tpu.memory_space<hbm>>
      tpu.wait_indirect_dma semaphore(%arg11 : memref<!tpu.dma_semaphore, #tpu.memory_space<semaphore_mem>>) src(%dma_wait3A_24 : memref<1003520x64xf32, #tpu.memory_space<hbm>>) dst(%arg8 : memref<128x64xf32, #tpu.memory_space<vmem>>)
      %add3A_25 = arith.addi %mul3A_2, %add3A_18 : i32
      %jit3A = arith.constant 32 : i32
      %div3A = arith.divsi %add3A_25, %jit3A : i32
      %sign3A = arith.constant 0 : i32
      %sign3A_26 = arith.cmpi sgt, %add3A_25, %sign3A : i32
      %sign3A_27 = arith.extui %sign3A_26 : i1 to i32
      %sign3A_28 = arith.constant 0 : i32
      %sign3A_29 = arith.cmpi slt, %add3A_25, %sign3A_28 : i32
      %sign3A_30 = arith.extui %sign3A_29 : i1 to i32
      %sign3A_31 = arith.subi %sign3A_27, %sign3A_30 : i32
      %sign3A_32 = arith.constant 0 : i32
      %sign3A_33 = arith.cmpi sgt, %jit3A, %sign3A_32 : i32
      %sign3A_34 = arith.extui %sign3A_33 : i1 to i32
      %sign3A_35 = arith.constant 0 : i32
      %sign3A_36 = arith.cmpi slt, %jit3A, %sign3A_35 : i32
      %sign3A_37 = arith.extui %sign3A_36 : i1 to i32
      %sign3A_38 = arith.subi %sign3A_34, %sign3A_37 : i32
      %ne3A = arith.cmpi ne, %sign3A_31, %sign3A_38 : i32
      %rem3A = arith.remsi %add3A_25, %jit3A : i32
      %ne3A_39 = arith.constant 0 : i32
      %ne3A_40 = arith.cmpi ne, %rem3A, %ne3A_39 : i32
      %and3A = arith.andi %ne3A, %ne3A_40 : i1
      %sub3A = arith.constant 1 : i32
      %sub3A_41 = arith.subi %div3A, %sub3A : i32
      %select_n3A = arith.select %and3A, %sub3A_41, %div3A : i32
      %rem3A_42 = arith.constant 32 : i32
      %rem3A_43 = arith.remsi %add3A_25, %rem3A_42 : i32
      %iota3A = tpu.iota {dimensions = array<i32: 0>} : vector<16xi32>
      %mul3A_44 = arith.constant 64 : i32
      %mul3A_45 = arith.muli %select_n3A, %mul3A_44 : i32
      %add3A_46 = arith.constant 0 : i32
      %add3A_47 = arith.addi %mul3A_45, %add3A_46 : i32
      %add3A_48 = vector.broadcast %add3A_47 : i32 to vector<16xi32>
      %add3A_49 = arith.addi %add3A_48, %iota3A : vector<16xi32>
      %gather3A = tpu.vector_load_idx %arg10[%add3A_49] : memref<12800xf32, #tpu.memory_space<vmem>>[vector<16xi32>], vector<16xf32>,
      %mul3A_50 = arith.constant 64 : i32
      %mul3A_51 = arith.muli %select_n3A, %mul3A_50 : i32
      %add3A_52 = arith.constant 16 : i32
      %add3A_53 = arith.addi %mul3A_51, %add3A_52 : i32
      %add3A_54 = vector.broadcast %add3A_53 : i32 to vector<16xi32>
      %add3A_55 = arith.addi %add3A_54, %iota3A : vector<16xi32>
      %gather3A_56 = tpu.vector_load_idx %arg10[%add3A_55] : memref<12800xf32, #tpu.memory_space<vmem>>[vector<16xi32>], vector<16xf32>,
      %mul3A_57 = arith.constant 64 : i32
      %mul3A_58 = arith.muli %select_n3A, %mul3A_57 : i32
      %add3A_59 = arith.constant 32 : i32
      %add3A_60 = arith.addi %mul3A_58, %add3A_59 : i32
      %add3A_61 = vector.broadcast %add3A_60 : i32 to vector<16xi32>
      %add3A_62 = arith.addi %add3A_61, %iota3A : vector<16xi32>
      %gather3A_63 = tpu.vector_load_idx %arg10[%add3A_62] : memref<12800xf32, #tpu.memory_space<vmem>>[vector<16xi32>], vector<16xf32>,
      %mul3A_64 = arith.constant 64 : i32
      %mul3A_65 = arith.muli %select_n3A, %mul3A_64 : i32
      %add3A_66 = arith.constant 48 : i32
      %add3A_67 = arith.addi %mul3A_65, %add3A_66 : i32
      %add3A_68 = vector.broadcast %add3A_67 : i32 to vector<16xi32>
      %add3A_69 = arith.addi %add3A_68, %iota3A : vector<16xi32>
      %gather3A_70 = tpu.vector_load_idx %arg10[%add3A_69] : memref<12800xf32, #tpu.memory_space<vmem>>[vector<16xi32>], vector<16xf32>,
      %scan3A_71 = arith.constant 0 : i32
      %scan3A_72 = arith.constant 0 : i32
      %scan3A_73 = arith.constant 128 : i32
      %scan3A_74 = arith.addi %scan3A_72, %scan3A_73 : i32
      %scan3A_75 = arith.constant 2 : i32
      scf.for %scan3A_185 = %scan3A_72 to %scan3A_74 step %scan3A_75  : i32 {
        %broadcast_in_dim3A = vector.broadcast %scan3A_185 : i32 to vector<16xi32>
        %add3A_186 = arith.constant 0 : i32
        %add3A_187 = vector.broadcast %add3A_186 : i32 to vector<16xi32>
        %add3A_188 = arith.addi %add3A_187, %iota3A : vector<16xi32>
        %gather3A_189 = tpu.vector_load_idx %arg8[%broadcast_in_dim3A, %add3A_188] : memref<128x64xf32, #tpu.memory_space<vmem>>[vector<16xi32>, vector<16xi32>], vector<16xf32>,
        %add3A_190 = arith.addf %gather3A_189, %gather3A : vector<16xf32>
        tpu.vector_store_idx %arg8[%broadcast_in_dim3A, %add3A_188], %add3A_190 : memref<128x64xf32, #tpu.memory_space<vmem>>[vector<16xi32>, vector<16xi32>], vector<16xf32>,
        %add3A_191 = arith.constant 16 : i32
        %add3A_192 = vector.broadcast %add3A_191 : i32 to vector<16xi32>
        %add3A_193 = arith.addi %add3A_192, %iota3A : vector<16xi32>
        %gather3A_194 = tpu.vector_load_idx %arg8[%broadcast_in_dim3A, %add3A_193] : memref<128x64xf32, #tpu.memory_space<vmem>>[vector<16xi32>, vector<16xi32>], vector<16xf32>,
        %add3A_195 = arith.addf %gather3A_194, %gather3A_56 : vector<16xf32>
        tpu.vector_store_idx %arg8[%broadcast_in_dim3A, %add3A_193], %add3A_195 : memref<128x64xf32, #tpu.memory_space<vmem>>[vector<16xi32>, vector<16xi32>], vector<16xf32>,
        %add3A_196 = arith.constant 32 : i32
        %add3A_197 = vector.broadcast %add3A_196 : i32 to vector<16xi32>
        %add3A_198 = arith.addi %add3A_197, %iota3A : vector<16xi32>
        %gather3A_199 = tpu.vector_load_idx %arg8[%broadcast_in_dim3A, %add3A_198] : memref<128x64xf32, #tpu.memory_space<vmem>>[vector<16xi32>, vector<16xi32>], vector<16xf32>,
        %add3A_200 = arith.addf %gather3A_199, %gather3A_63 : vector<16xf32>
        tpu.vector_store_idx %arg8[%broadcast_in_dim3A, %add3A_198], %add3A_200 : memref<128x64xf32, #tpu.memory_space<vmem>>[vector<16xi32>, vector<16xi32>], vector<16xf32>,
        %add3A_201 = arith.constant 48 : i32
        %add3A_202 = vector.broadcast %add3A_201 : i32 to vector<16xi32>
        %add3A_203 = arith.addi %add3A_202, %iota3A : vector<16xi32>
        %gather3A_204 = tpu.vector_load_idx %arg8[%broadcast_in_dim3A, %add3A_203] : memref<128x64xf32, #tpu.memory_space<vmem>>[vector<16xi32>, vector<16xi32>], vector<16xf32>,
        %add3A_205 = arith.addf %gather3A_204, %gather3A_70 : vector<16xf32>
        tpu.vector_store_idx %arg8[%broadcast_in_dim3A, %add3A_203], %add3A_205 : memref<128x64xf32, #tpu.memory_space<vmem>>[vector<16xi32>, vector<16xi32>], vector<16xf32>,
        %scan3A_206 = arith.constant 1 : i32
        %scan3A_207 = arith.addi %scan3A_185, %scan3A_206 : i32
        %broadcast_in_dim3A_208 = vector.broadcast %scan3A_207 : i32 to vector<16xi32>
        %add3A_209 = arith.constant 0 : i32
        %add3A_210 = vector.broadcast %add3A_209 : i32 to vector<16xi32>
        %add3A_211 = arith.addi %add3A_210, %iota3A : vector<16xi32>
        %gather3A_212 = tpu.vector_load_idx %arg8[%broadcast_in_dim3A_208, %add3A_211] : memref<128x64xf32, #tpu.memory_space<vmem>>[vector<16xi32>, vector<16xi32>], vector<16xf32>,
        %add3A_213 = arith.addf %gather3A_212, %gather3A : vector<16xf32>
        tpu.vector_store_idx %arg8[%broadcast_in_dim3A_208, %add3A_211], %add3A_213 : memref<128x64xf32, #tpu.memory_space<vmem>>[vector<16xi32>, vector<16xi32>], vector<16xf32>,
        %add3A_214 = arith.constant 16 : i32
        %add3A_215 = vector.broadcast %add3A_214 : i32 to vector<16xi32>
        %add3A_216 = arith.addi %add3A_215, %iota3A : vector<16xi32>
        %gather3A_217 = tpu.vector_load_idx %arg8[%broadcast_in_dim3A_208, %add3A_216] : memref<128x64xf32, #tpu.memory_space<vmem>>[vector<16xi32>, vector<16xi32>], vector<16xf32>,
        %add3A_218 = arith.addf %gather3A_217, %gather3A_56 : vector<16xf32>
        tpu.vector_store_idx %arg8[%broadcast_in_dim3A_208, %add3A_216], %add3A_218 : memref<128x64xf32, #tpu.memory_space<vmem>>[vector<16xi32>, vector<16xi32>], vector<16xf32>,
        %add3A_219 = arith.constant 32 : i32
        %add3A_220 = vector.broadcast %add3A_219 : i32 to vector<16xi32>
        %add3A_221 = arith.addi %add3A_220, %iota3A : vector<16xi32>
        %gather3A_222 = tpu.vector_load_idx %arg8[%broadcast_in_dim3A_208, %add3A_221] : memref<128x64xf32, #tpu.memory_space<vmem>>[vector<16xi32>, vector<16xi32>], vector<16xf32>,
        %add3A_223 = arith.addf %gather3A_222, %gather3A_63 : vector<16xf32>
        tpu.vector_store_idx %arg8[%broadcast_in_dim3A_208, %add3A_221], %add3A_223 : memref<128x64xf32, #tpu.memory_space<vmem>>[vector<16xi32>, vector<16xi32>], vector<16xf32>,
        %add3A_224 = arith.constant 48 : i32
        %add3A_225 = vector.broadcast %add3A_224 : i32 to vector<16xi32>
        %add3A_226 = arith.addi %add3A_225, %iota3A : vector<16xi32>
        %gather3A_227 = tpu.vector_load_idx %arg8[%broadcast_in_dim3A_208, %add3A_226] : memref<128x64xf32, #tpu.memory_space<vmem>>[vector<16xi32>, vector<16xi32>], vector<16xf32>,
        %add3A_228 = arith.addf %gather3A_227, %gather3A_70 : vector<16xf32>
        tpu.vector_store_idx %arg8[%broadcast_in_dim3A_208, %add3A_226], %add3A_228 : memref<128x64xf32, #tpu.memory_space<vmem>>[vector<16xi32>, vector<16xi32>], vector<16xf32>,
      }
      %scan3A_76 = arith.constant 128 : i32
      %dma_start3A_77 = arith.constant 0 : i32
      %dma_start3A_78 = arith.constant 0 : i32
      %dma_start3A_79 = tpu.memref_slice %arg5[%select_n3A, %rem3A_43, %dma_start3A_77, %dma_start3A_78] : memref<200x32x128x64xf32, #tpu.memory_space<hbm>> -> memref<1x1x128x64xf32, #tpu.memory_space<hbm>>
      %dma_start3A_80 = tpu.memref_squeeze %dma_start3A_79 : memref<1x1x128x64xf32, #tpu.memory_space<hbm>> -> memref<128x64xf32, #tpu.memory_space<hbm>>
      %dma_start3A_81 = arith.constant 0 : i32
      %dma_start3A_82 = arith.constant 0 : i32
      %dma_start3A_83 = tpu.memref_slice %arg5[%select_n3A, %rem3A_43, %dma_start3A_81, %dma_start3A_82] : memref<200x32x128x64xf32, #tpu.memory_space<hbm>> -> memref<1x1x128x64xf32, #tpu.memory_space<hbm>>
      %dma_start3A_84 = tpu.memref_squeeze %dma_start3A_83 : memref<1x1x128x64xf32, #tpu.memory_space<hbm>> -> memref<128x64xf32, #tpu.memory_space<hbm>>
      tpu.enqueue_dma source(%arg8 : memref<128x64xf32, #tpu.memory_space<vmem>>) target(%dma_start3A_84 : memref<128x64xf32, #tpu.memory_space<hbm>>) target_semaphore(%arg13 : memref<!tpu.dma_semaphore, #tpu.memory_space<semaphore_mem>>)
      %dma_wait3A_85 = arith.constant 0 : i32
      %dma_wait3A_86 = arith.constant 0 : i32
      %dma_wait3A_87 = tpu.memref_slice %arg5[%select_n3A, %rem3A_43, %dma_wait3A_85, %dma_wait3A_86] : memref<200x32x128x64xf32, #tpu.memory_space<hbm>> -> memref<1x1x128x64xf32, #tpu.memory_space<hbm>>
      %dma_wait3A_88 = tpu.memref_squeeze %dma_wait3A_87 : memref<1x1x128x64xf32, #tpu.memory_space<hbm>> -> memref<128x64xf32, #tpu.memory_space<hbm>>
      %dma_wait3A_89 = arith.constant 0 : i32
      %dma_wait3A_90 = arith.constant 0 : i32
      %dma_wait3A_91 = tpu.memref_slice %arg5[%select_n3A, %rem3A_43, %dma_wait3A_89, %dma_wait3A_90] : memref<200x32x128x64xf32, #tpu.memory_space<hbm>> -> memref<1x1x128x64xf32, #tpu.memory_space<hbm>>
      %dma_wait3A_92 = tpu.memref_squeeze %dma_wait3A_91 : memref<1x1x128x64xf32, #tpu.memory_space<hbm>> -> memref<128x64xf32, #tpu.memory_space<hbm>>
      tpu.wait_dma2 semaphore(%arg13 : memref<!tpu.dma_semaphore, #tpu.memory_space<semaphore_mem>>) src(%arg8 : memref<128x64xf32, #tpu.memory_space<vmem>>) dst(%dma_wait3A_92 : memref<128x64xf32, #tpu.memory_space<hbm>>)
      %mul3A_93 = arith.constant 2 : i32
      %mul3A_94 = arith.muli %mul3A_93, %scan3A_14 : i32
      %add3A_95 = arith.constant 1 : i32
      %add3A_96 = arith.addi %mul3A_94, %add3A_95 : i32
      %add3A_97 = arith.constant 1 : i32
      %add3A_98 = arith.addi %add3A_96, %add3A_97 : i32
      %lt3A_99 = arith.constant 200 : i32
      %lt3A_100 = arith.cmpi slt, %add3A_98, %lt3A_99 : i32
      %convert_element_type3A_101 = arith.extui %lt3A_100 : i1 to i32
      %cond3A_102 = arith.constant 0 : i32
      %cond3A_103 = arith.cmpi ne, %convert_element_type3A_101, %cond3A_102 : i32
      scf.if %cond3A_103 {
        %add3A_185 = arith.constant 1 : i32
        %add3A_186 = arith.addi %add3A_96, %add3A_185 : i32
        %add3A_187 = arith.addi %mul3A_2, %add3A_186 : i32
        %mul3A_188 = arith.constant 128 : i32
        %mul3A_189 = arith.muli %add3A_187, %mul3A_188 : i32
        "tpu.region"() ({
          %run_scoped3A = tpu.sem_alloc : memref<!tpu.dma_semaphore, #tpu.memory_space<semaphore_mem>>
          %dma_start3A_193 = tpu.memref_slice %arg2[%mul3A_189] : memref<819200xi32, #tpu.memory_space<hbm>> -> memref<128xi32, #tpu.memory_space<hbm>>
          %dma_start3A_194 = tpu.memref_slice %arg2[%mul3A_189] : memref<819200xi32, #tpu.memory_space<hbm>> -> memref<128xi32, #tpu.memory_space<hbm>>
          tpu.enqueue_dma source(%dma_start3A_194 : memref<128xi32, #tpu.memory_space<hbm>>) target(%arg6 : memref<128xi32, #tpu.memory_space<vmem>>) target_semaphore(%run_scoped3A : memref<!tpu.dma_semaphore, #tpu.memory_space<semaphore_mem>>)
          %dma_wait3A_195 = tpu.memref_slice %arg2[%mul3A_189] : memref<819200xi32, #tpu.memory_space<hbm>> -> memref<128xi32, #tpu.memory_space<hbm>>
          %dma_wait3A_196 = tpu.memref_slice %arg2[%mul3A_189] : memref<819200xi32, #tpu.memory_space<hbm>> -> memref<128xi32, #tpu.memory_space<hbm>>
          tpu.wait_dma2 semaphore(%run_scoped3A : memref<!tpu.dma_semaphore, #tpu.memory_space<semaphore_mem>>) src(%dma_wait3A_196 : memref<128xi32, #tpu.memory_space<hbm>>) dst(%arg6 : memref<128xi32, #tpu.memory_space<vmem>>)
          tpu.yield
        }) : () -> ()
        %dma_start3A_190 = arith.constant 0 : i32
        %dma_start3A_191 = arith.constant 0 : i32
        %dma_start3A_192 = tpu.memref_slice %arg3[%dma_start3A_190, %dma_start3A_191] : memref<1003520x64xf32, #tpu.memory_space<hbm>> -> memref<1003520x64xf32, #tpu.memory_space<hbm>>
        tpu.enqueue_indirect_dma source(%dma_start3A_192 : memref<1003520x64xf32, #tpu.memory_space<hbm>>) target(%arg8 : memref<128x64xf32, #tpu.memory_space<vmem>>) offsets(%arg6 : memref<128xi32, #tpu.memory_space<vmem>>) semaphore(%arg11 : memref<!tpu.dma_semaphore, #tpu.memory_space<semaphore_mem>>)
      } else {
      }
      %dma_wait3A_104 = arith.constant 0 : i32
      %dma_wait3A_105 = arith.constant 0 : i32
      %dma_wait3A_106 = tpu.memref_slice %arg3[%dma_wait3A_104, %dma_wait3A_105] : memref<1003520x64xf32, #tpu.memory_space<hbm>> -> memref<1003520x64xf32, #tpu.memory_space<hbm>>
      tpu.wait_indirect_dma semaphore(%arg12 : memref<!tpu.dma_semaphore, #tpu.memory_space<semaphore_mem>>) src(%dma_wait3A_106 : memref<1003520x64xf32, #tpu.memory_space<hbm>>) dst(%arg9 : memref<128x64xf32, #tpu.memory_space<vmem>>)
      %add3A_107 = arith.addi %mul3A_2, %add3A_96 : i32
      %jit3A_108 = arith.constant 32 : i32
      %div3A_109 = arith.divsi %add3A_107, %jit3A_108 : i32
      %sign3A_110 = arith.constant 0 : i32
      %sign3A_111 = arith.cmpi sgt, %add3A_107, %sign3A_110 : i32
      %sign3A_112 = arith.extui %sign3A_111 : i1 to i32
      %sign3A_113 = arith.constant 0 : i32
      %sign3A_114 = arith.cmpi slt, %add3A_107, %sign3A_113 : i32
      %sign3A_115 = arith.extui %sign3A_114 : i1 to i32
      %sign3A_116 = arith.subi %sign3A_112, %sign3A_115 : i32
      %sign3A_117 = arith.constant 0 : i32
      %sign3A_118 = arith.cmpi sgt, %jit3A_108, %sign3A_117 : i32
      %sign3A_119 = arith.extui %sign3A_118 : i1 to i32
      %sign3A_120 = arith.constant 0 : i32
      %sign3A_121 = arith.cmpi slt, %jit3A_108, %sign3A_120 : i32
      %sign3A_122 = arith.extui %sign3A_121 : i1 to i32
      %sign3A_123 = arith.subi %sign3A_119, %sign3A_122 : i32
      %ne3A_124 = arith.cmpi ne, %sign3A_116, %sign3A_123 : i32
      %rem3A_125 = arith.remsi %add3A_107, %jit3A_108 : i32
      %ne3A_126 = arith.constant 0 : i32
      %ne3A_127 = arith.cmpi ne, %rem3A_125, %ne3A_126 : i32
      %and3A_128 = arith.andi %ne3A_124, %ne3A_127 : i1
      %sub3A_129 = arith.constant 1 : i32
      %sub3A_130 = arith.subi %div3A_109, %sub3A_129 : i32
      %select_n3A_131 = arith.select %and3A_128, %sub3A_130, %div3A_109 : i32
      %rem3A_132 = arith.constant 32 : i32
      %rem3A_133 = arith.remsi %add3A_107, %rem3A_132 : i32
      %iota3A_134 = tpu.iota {dimensions = array<i32: 0>} : vector<16xi32>
      %mul3A_135 = arith.constant 64 : i32
      %mul3A_136 = arith.muli %select_n3A_131, %mul3A_135 : i32
      %add3A_137 = arith.constant 0 : i32
      %add3A_138 = arith.addi %mul3A_136, %add3A_137 : i32
      %add3A_139 = vector.broadcast %add3A_138 : i32 to vector<16xi32>
      %add3A_140 = arith.addi %add3A_139, %iota3A_134 : vector<16xi32>
      %gather3A_141 = tpu.vector_load_idx %arg10[%add3A_140] : memref<12800xf32, #tpu.memory_space<vmem>>[vector<16xi32>], vector<16xf32>,
      %mul3A_142 = arith.constant 64 : i32
      %mul3A_143 = arith.muli %select_n3A_131, %mul3A_142 : i32
      %add3A_144 = arith.constant 16 : i32
      %add3A_145 = arith.addi %mul3A_143, %add3A_144 : i32
      %add3A_146 = vector.broadcast %add3A_145 : i32 to vector<16xi32>
      %add3A_147 = arith.addi %add3A_146, %iota3A_134 : vector<16xi32>
      %gather3A_148 = tpu.vector_load_idx %arg10[%add3A_147] : memref<12800xf32, #tpu.memory_space<vmem>>[vector<16xi32>], vector<16xf32>,
      %mul3A_149 = arith.constant 64 : i32
      %mul3A_150 = arith.muli %select_n3A_131, %mul3A_149 : i32
      %add3A_151 = arith.constant 32 : i32
      %add3A_152 = arith.addi %mul3A_150, %add3A_151 : i32
      %add3A_153 = vector.broadcast %add3A_152 : i32 to vector<16xi32>
      %add3A_154 = arith.addi %add3A_153, %iota3A_134 : vector<16xi32>
      %gather3A_155 = tpu.vector_load_idx %arg10[%add3A_154] : memref<12800xf32, #tpu.memory_space<vmem>>[vector<16xi32>], vector<16xf32>,
      %mul3A_156 = arith.constant 64 : i32
      %mul3A_157 = arith.muli %select_n3A_131, %mul3A_156 : i32
      %add3A_158 = arith.constant 48 : i32
      %add3A_159 = arith.addi %mul3A_157, %add3A_158 : i32
      %add3A_160 = vector.broadcast %add3A_159 : i32 to vector<16xi32>
      %add3A_161 = arith.addi %add3A_160, %iota3A_134 : vector<16xi32>
      %gather3A_162 = tpu.vector_load_idx %arg10[%add3A_161] : memref<12800xf32, #tpu.memory_space<vmem>>[vector<16xi32>], vector<16xf32>,
      %scan3A_163 = arith.constant 0 : i32
      %scan3A_164 = arith.constant 0 : i32
      %scan3A_165 = arith.constant 128 : i32
      %scan3A_166 = arith.addi %scan3A_164, %scan3A_165 : i32
      %scan3A_167 = arith.constant 2 : i32
      scf.for %scan3A_185 = %scan3A_164 to %scan3A_166 step %scan3A_167  : i32 {
        %broadcast_in_dim3A = vector.broadcast %scan3A_185 : i32 to vector<16xi32>
        %add3A_186 = arith.constant 0 : i32
        %add3A_187 = vector.broadcast %add3A_186 : i32 to vector<16xi32>
        %add3A_188 = arith.addi %add3A_187, %iota3A_134 : vector<16xi32>
        %gather3A_189 = tpu.vector_load_idx %arg9[%broadcast_in_dim3A, %add3A_188] : memref<128x64xf32, #tpu.memory_space<vmem>>[vector<16xi32>, vector<16xi32>], vector<16xf32>,
        %add3A_190 = arith.addf %gather3A_189, %gather3A_141 : vector<16xf32>
        tpu.vector_store_idx %arg9[%broadcast_in_dim3A, %add3A_188], %add3A_190 : memref<128x64xf32, #tpu.memory_space<vmem>>[vector<16xi32>, vector<16xi32>], vector<16xf32>,
        %add3A_191 = arith.constant 16 : i32
        %add3A_192 = vector.broadcast %add3A_191 : i32 to vector<16xi32>
        %add3A_193 = arith.addi %add3A_192, %iota3A_134 : vector<16xi32>
        %gather3A_194 = tpu.vector_load_idx %arg9[%broadcast_in_dim3A, %add3A_193] : memref<128x64xf32, #tpu.memory_space<vmem>>[vector<16xi32>, vector<16xi32>], vector<16xf32>,
        %add3A_195 = arith.addf %gather3A_194, %gather3A_148 : vector<16xf32>
        tpu.vector_store_idx %arg9[%broadcast_in_dim3A, %add3A_193], %add3A_195 : memref<128x64xf32, #tpu.memory_space<vmem>>[vector<16xi32>, vector<16xi32>], vector<16xf32>,
        %add3A_196 = arith.constant 32 : i32
        %add3A_197 = vector.broadcast %add3A_196 : i32 to vector<16xi32>
        %add3A_198 = arith.addi %add3A_197, %iota3A_134 : vector<16xi32>
        %gather3A_199 = tpu.vector_load_idx %arg9[%broadcast_in_dim3A, %add3A_198] : memref<128x64xf32, #tpu.memory_space<vmem>>[vector<16xi32>, vector<16xi32>], vector<16xf32>,
        %add3A_200 = arith.addf %gather3A_199, %gather3A_155 : vector<16xf32>
        tpu.vector_store_idx %arg9[%broadcast_in_dim3A, %add3A_198], %add3A_200 : memref<128x64xf32, #tpu.memory_space<vmem>>[vector<16xi32>, vector<16xi32>], vector<16xf32>,
        %add3A_201 = arith.constant 48 : i32
        %add3A_202 = vector.broadcast %add3A_201 : i32 to vector<16xi32>
        %add3A_203 = arith.addi %add3A_202, %iota3A_134 : vector<16xi32>
        %gather3A_204 = tpu.vector_load_idx %arg9[%broadcast_in_dim3A, %add3A_203] : memref<128x64xf32, #tpu.memory_space<vmem>>[vector<16xi32>, vector<16xi32>], vector<16xf32>,
        %add3A_205 = arith.addf %gather3A_204, %gather3A_162 : vector<16xf32>
        tpu.vector_store_idx %arg9[%broadcast_in_dim3A, %add3A_203], %add3A_205 : memref<128x64xf32, #tpu.memory_space<vmem>>[vector<16xi32>, vector<16xi32>], vector<16xf32>,
        %scan3A_206 = arith.constant 1 : i32
        %scan3A_207 = arith.addi %scan3A_185, %scan3A_206 : i32
        %broadcast_in_dim3A_208 = vector.broadcast %scan3A_207 : i32 to vector<16xi32>
        %add3A_209 = arith.constant 0 : i32
        %add3A_210 = vector.broadcast %add3A_209 : i32 to vector<16xi32>
        %add3A_211 = arith.addi %add3A_210, %iota3A_134 : vector<16xi32>
        %gather3A_212 = tpu.vector_load_idx %arg9[%broadcast_in_dim3A_208, %add3A_211] : memref<128x64xf32, #tpu.memory_space<vmem>>[vector<16xi32>, vector<16xi32>], vector<16xf32>,
        %add3A_213 = arith.addf %gather3A_212, %gather3A_141 : vector<16xf32>
        tpu.vector_store_idx %arg9[%broadcast_in_dim3A_208, %add3A_211], %add3A_213 : memref<128x64xf32, #tpu.memory_space<vmem>>[vector<16xi32>, vector<16xi32>], vector<16xf32>,
        %add3A_214 = arith.constant 16 : i32
        %add3A_215 = vector.broadcast %add3A_214 : i32 to vector<16xi32>
        %add3A_216 = arith.addi %add3A_215, %iota3A_134 : vector<16xi32>
        %gather3A_217 = tpu.vector_load_idx %arg9[%broadcast_in_dim3A_208, %add3A_216] : memref<128x64xf32, #tpu.memory_space<vmem>>[vector<16xi32>, vector<16xi32>], vector<16xf32>,
        %add3A_218 = arith.addf %gather3A_217, %gather3A_148 : vector<16xf32>
        tpu.vector_store_idx %arg9[%broadcast_in_dim3A_208, %add3A_216], %add3A_218 : memref<128x64xf32, #tpu.memory_space<vmem>>[vector<16xi32>, vector<16xi32>], vector<16xf32>,
        %add3A_219 = arith.constant 32 : i32
        %add3A_220 = vector.broadcast %add3A_219 : i32 to vector<16xi32>
        %add3A_221 = arith.addi %add3A_220, %iota3A_134 : vector<16xi32>
        %gather3A_222 = tpu.vector_load_idx %arg9[%broadcast_in_dim3A_208, %add3A_221] : memref<128x64xf32, #tpu.memory_space<vmem>>[vector<16xi32>, vector<16xi32>], vector<16xf32>,
        %add3A_223 = arith.addf %gather3A_222, %gather3A_155 : vector<16xf32>
        tpu.vector_store_idx %arg9[%broadcast_in_dim3A_208, %add3A_221], %add3A_223 : memref<128x64xf32, #tpu.memory_space<vmem>>[vector<16xi32>, vector<16xi32>], vector<16xf32>,
        %add3A_224 = arith.constant 48 : i32
        %add3A_225 = vector.broadcast %add3A_224 : i32 to vector<16xi32>
        %add3A_226 = arith.addi %add3A_225, %iota3A_134 : vector<16xi32>
        %gather3A_227 = tpu.vector_load_idx %arg9[%broadcast_in_dim3A_208, %add3A_226] : memref<128x64xf32, #tpu.memory_space<vmem>>[vector<16xi32>, vector<16xi32>], vector<16xf32>,
        %add3A_228 = arith.addf %gather3A_227, %gather3A_162 : vector<16xf32>
        tpu.vector_store_idx %arg9[%broadcast_in_dim3A_208, %add3A_226], %add3A_228 : memref<128x64xf32, #tpu.memory_space<vmem>>[vector<16xi32>, vector<16xi32>], vector<16xf32>,
      }
      %scan3A_168 = arith.constant 128 : i32
      %dma_start3A_169 = arith.constant 0 : i32
      %dma_start3A_170 = arith.constant 0 : i32
      %dma_start3A_171 = tpu.memref_slice %arg5[%select_n3A_131, %rem3A_133, %dma_start3A_169, %dma_start3A_170] : memref<200x32x128x64xf32, #tpu.memory_space<hbm>> -> memref<1x1x128x64xf32, #tpu.memory_space<hbm>>
      %dma_start3A_172 = tpu.memref_squeeze %dma_start3A_171 : memref<1x1x128x64xf32, #tpu.memory_space<hbm>> -> memref<128x64xf32, #tpu.memory_space<hbm>>
      %dma_start3A_173 = arith.constant 0 : i32
      %dma_start3A_174 = arith.constant 0 : i32
      %dma_start3A_175 = tpu.memref_slice %arg5[%select_n3A_131, %rem3A_133, %dma_start3A_173, %dma_start3A_174] : memref<200x32x128x64xf32, #tpu.memory_space<hbm>> -> memref<1x1x128x64xf32, #tpu.memory_space<hbm>>
      %dma_start3A_176 = tpu.memref_squeeze %dma_start3A_175 : memref<1x1x128x64xf32, #tpu.memory_space<hbm>> -> memref<128x64xf32, #tpu.memory_space<hbm>>
      tpu.enqueue_dma source(%arg9 : memref<128x64xf32, #tpu.memory_space<vmem>>) target(%dma_start3A_176 : memref<128x64xf32, #tpu.memory_space<hbm>>) target_semaphore(%arg13 : memref<!tpu.dma_semaphore, #tpu.memory_space<semaphore_mem>>)
      %dma_wait3A_177 = arith.constant 0 : i32
      %dma_wait3A_178 = arith.constant 0 : i32
      %dma_wait3A_179 = tpu.memref_slice %arg5[%select_n3A_131, %rem3A_133, %dma_wait3A_177, %dma_wait3A_178] : memref<200x32x128x64xf32, #tpu.memory_space<hbm>> -> memref<1x1x128x64xf32, #tpu.memory_space<hbm>>
      %dma_wait3A_180 = tpu.memref_squeeze %dma_wait3A_179 : memref<1x1x128x64xf32, #tpu.memory_space<hbm>> -> memref<128x64xf32, #tpu.memory_space<hbm>>
      %dma_wait3A_181 = arith.constant 0 : i32
      %dma_wait3A_182 = arith.constant 0 : i32
      %dma_wait3A_183 = tpu.memref_slice %arg5[%select_n3A_131, %rem3A_133, %dma_wait3A_181, %dma_wait3A_182] : memref<200x32x128x64xf32, #tpu.memory_space<hbm>> -> memref<1x1x128x64xf32, #tpu.memory_space<hbm>>
      %dma_wait3A_184 = tpu.memref_squeeze %dma_wait3A_183 : memref<1x1x128x64xf32, #tpu.memory_space<hbm>> -> memref<128x64xf32, #tpu.memory_space<hbm>>
      tpu.wait_dma2 semaphore(%arg13 : memref<!tpu.dma_semaphore, #tpu.memory_space<semaphore_mem>>) src(%arg9 : memref<128x64xf32, #tpu.memory_space<vmem>>) dst(%dma_wait3A_184 : memref<128x64xf32, #tpu.memory_space<hbm>>)
    }
    %scan3A_13 = arith.constant 100 : i32
    return
  }
}

</mosaic_0001>

<sc_bundles>
// kernel: _embed.3.cloned.1.call-start
scs
__scs_entry_jumppad:
0x0: {  	(pc) =	sbr.rel $0x88, $3  }
0x1: {  	(tag) =	ssettag $0x0;
	lr =	simm.s32 $0x1  }
0x2: {  	[smem:$0x3F9E] =	sst lr;
	_ =	strace $0xD0000000  }
0x3: {  	_ = 	snop  }
0x4: {  	_ = 	snop  }
0x5: {  	_ = 	snop  }
0x6: {  	_ = 	snop  }
0x7: {  	_ = 	snop  }
__scs_overlays_trampoline_lowered:
0x8: {  	[smem:$0x3FAD] =	sst s0  }
0x9: {  	[smem:$0x3FAE] =	sst s1  }
0xa: {  	[smem:$0x3FAF] =	sst s2  }
0xb: {  	[smem:$0x3FB0] =	sst s3  }
0xc: {  	[smem:$0x3FB1] =	sst s4  }
0xd: {  	[smem:$0x3FB2] =	sst s5  }
0xe: {  	[smem:$0x3FB3] =	sst s6  }
0xf: {  	[smem:$0x3FB4] =	sst s7  }
0x10: {  	[smem:$0x3FB5] =	sst s8  }
0x11: {  	[smem:$0x3FB6] =	sst s9;
	s0 =	simm.s32 @!p0 $0x0  }
0x12: {  	s1 =	sld [smem:$0x3F9C];
	s0 =	simm.s32 @p0 $0x1  }
0x13: {  	[smem:$0x3FB7] =	sst s0;
	s0 =	simm.s32 @!p1 $0x0  }
0x14: {  	s2 =	sld [smem:$0x3F9B];
	s0 =	simm.s32 @p1 $0x1  }
0x15: {  	[smem:$0x3FB8] =	sst s0;
	s0 =	simm.s32 @!p2 $0x0  }
0x16: {  	s3 =	sld [smem:$0x3FDB];
	s0 =	simm.s32 @p2 $0x1  }
0x17: {  	s4 =	simm.s32 $0x1BF5;
	[smem:$0x3FBA] =	sst s0  }
0x18: {  	s0 =	sld [smem:$0x3F9D];
	_ =	swait.ge [sflag:s4], $0x0  }
0x19: {  	s7 =	sld [smem:$0x3F9E]  }
0x1a: {  	s8 =	sadd.s32 $0xFFFFE003, lr  }
0x1b: {  	s9 =	sadd.s32 $0xFFFFFEF7, lr;
	s5 =	simm.s32 $0xFFFFFFFF;
	p2 =	slt.u32 s8, $0xFFFFF086  }
0x1c: {  	p1 =	slt.u32 s9, $0xF7A;
	s5 =	simm.s32 @!p2 $0x0  }
0x1d: {  	s5 =	simm.s32 @p1 $0x1;
	p0 =	seq.s32 s7, s2  }
0x1e: {  	s7 =	smul.u32 @!p0 $0xF7A, s2;
	p2 =	seq.s32 @!p0 s5, $0x0  }
0x1f: {  	s9 =	smul.u32 $0xF7A, s1;
	s8 =	simm.s32 @!p0 $0x1BF5;
	p2 =	por !p2, p0  }
0x20: {  	[sflag:s8] =	ssyncset.s32 @!p0 $0xFFFFF086;
	s6 =	sadd.s32 @!p0 s3, s7;
	s7 =	simm.s32 @!p0 $0x108  }
0x21: {  	s3 =	sadd.s32 s3, s9;
	s6 =	sadd.s32 @!p0 $0x88, s6;
	s7 =	simm.s32 @p2 $0x1082  }
0x22: {  	[simem:s7], [sflag:s8] =	dma.local @!p0 [hbm:s6], $0xF7A  }
0x23: {  	s9 =	sor.u32 $0xD0000000, s2;
	s6 =	simm.s32 $0x108;
	_ =	swait.ge @!p0 [sflag:s8], $0x0  }
0x24: {  	s3 =	sadd.s32 $0x88, s3;
	s6 =	simm.s32 @!p1 $0x1082;
	[sflag:s4] =	ssyncset.s32 $0xFFFFF086  }
0x25: {  	[simem:s6], [sflag:s4] =	dma.local [hbm:s3], $0xF7A  }
0x26: {  	[smem:$0x3F9E] =	sst s1;
	(tag) =	ssettag s2;
	_ =	strace s9  }
0x27: {  	s1 =	sld [smem:$0x3FAE]  }
0x28: {  	s2 =	sld [smem:$0x3FAF]  }
0x29: {  	s4 =	sld [smem:$0x3FB1]  }
0x2a: {  	p0 =	seq.s32 s5, $0x0;
	s5 =	sld [smem:$0x3FB2]  }
0x2b: {  	s6 =	sld [smem:$0x3FB3]  }
0x2c: {  	s7 =	sld [smem:$0x3FB4]  }
0x2d: {  	s3 =	simm.s32 $0x108;
	s8 =	sld [smem:$0x3FB5]  }
0x2e: {  	s3 =	simm.s32 @!p0 $0x1082;
	s9 =	sld [smem:$0x3FB6]  }
0x2f: {  	lr =	sadd.s32 s0, s3;
	s0 =	sld [smem:$0x3FAD]  }
0x30: {  	s3 =	sld [smem:$0x3FB0]  }
0x31: {  	[smem:$0x3FB9] =	sst s10  }
0x32: {  	s10 =	sld [smem:$0x3FB7];
	_ =	sdelay $0x3  }
0x33: {  	p0 =	seq.s32 s10, $0x1;
	s10 =	sld [smem:$0x3FB9];
	_ =	sdelay $0x3  }
0x34: {  	[smem:$0x3FB9] =	sst s10  }
0x35: {  	s10 =	sld [smem:$0x3FB8];
	_ =	sdelay $0x3  }
0x36: {  	p1 =	seq.s32 s10, $0x1;
	s10 =	sld [smem:$0x3FB9];
	_ =	sdelay $0x3  }
0x37: {  	[smem:$0x3FB9] =	sst s10  }
0x38: {  	s10 =	sld [smem:$0x3FBA]  }
0x39: {  	_ = 	snop;
	(pc) =	sbr.ind lr, $3  }
0x3a: {  	_ = 	snop  }
0x3b: {  	_ = 	snop  }
0x3c: {  	p2 =	seq.s32 s10, $0x1;
	s10 =	sld [smem:$0x3FB9]  }
0x3d: {  	_ =	shalt  }
0x3e: {  	_ =	shalt  }
0x3f: {  	_ =	shalt  }
0x40: {  	_ =	shalt  }
0x41: {  	_ =	shalt  }
0x42: {  	_ =	shalt  }
0x43: {  	_ =	shalt  }
0x44: {  	_ =	shalt  }
0x45: {  	_ =	shalt  }
0x46: {  	_ =	shalt  }
0x47: {  	_ =	shalt  }
0x48: {  	_ =	shalt  }
0x49: {  	_ =	shalt  }
0x4a: {  	_ =	shalt  }
0x4b: {  	_ =	shalt  }
0x4c: {  	_ =	shalt  }
0x4d: {  	_ =	shalt  }
0x4e: {  	_ =	shalt  }
0x4f: {  	_ =	shalt  }
0x50: {  	_ =	shalt  }
0x51: {  	_ =	shalt  }
0x52: {  	_ =	shalt  }
0x53: {  	_ =	shalt  }
0x54: {  	_ =	shalt  }
0x55: {  	_ =	shalt  }
0x56: {  	_ =	shalt  }
0x57: {  	_ =	shalt  }
0x58: {  	_ =	shalt  }
0x59: {  	_ =	shalt  }
0x5a: {  	_ =	shalt  }
0x5b: {  	_ =	shalt  }
0x5c: {  	_ =	shalt  }
0x5d: {  	_ =	shalt  }
0x5e: {  	_ =	shalt  }
0x5f: {  	_ =	shalt  }
0x60: {  	_ =	shalt  }
0x61: {  	_ =	shalt  }
0x62: {  	_ =	shalt  }
0x63: {  	_ =	shalt  }
0x64: {  	_ =	shalt  }
0x65: {  	_ =	shalt  }
0x66: {  	_ =	shalt  }
0x67: {  	_ =	shalt  }
0x68: {  	_ =	shalt  }
0x69: {  	_ =	shalt  }
0x6a: {  	_ =	shalt  }
0x6b: {  	_ =	shalt  }
0x6c: {  	_ =	shalt  }
0x6d: {  	_ =	shalt  }
0x6e: {  	_ =	shalt  }
0x6f: {  	_ =	shalt  }
0x70: {  	_ =	shalt  }
0x71: {  	_ =	shalt  }
0x72: {  	_ =	shalt  }
0x73: {  	_ =	shalt  }
0x74: {  	_ =	shalt  }
0x75: {  	_ =	shalt  }
0x76: {  	_ =	shalt  }
0x77: {  	_ =	shalt  }
0x78: {  	_ =	shalt  }
0x79: {  	_ =	shalt  }
0x7a: {  	_ =	shalt  }
0x7b: {  	_ =	shalt  }
0x7c: {  	_ =	shalt  }
0x7d: {  	_ =	shalt  }
0x7e: {  	_ =	shalt  }
0x7f: {  	_ =	shalt  }
0x80: {  	_ =	shalt  }
0x81: {  	_ =	shalt  }
0x82: {  	_ =	shalt  }
0x83: {  	_ =	shalt  }
0x84: {  	_ =	shalt  }
0x85: {  	_ =	shalt  }
0x86: {  	_ =	shalt  }
0x87: {  	_ =	shalt  }
.Lfunc_end0:
.L_simem_size_0:
called_computation.1_lowered:
.L_overlay_start_0:
0x88: {  	s2 =	sld [smem:$0x3FD9]  }
0x89: {  	s3 =	sld [smem:$0x3FFE];
	_ =	sdelay $0x1  }
0x8a: {  	s1 =	srdreg.scid  }
0x8b: {  	s0 =	sand.u32 $0x1, s1  }
0x8c: {  	s17 =	sshll.u32 s0, $0xA;
	s2 =	sadd.s32 s3, s2  }
0x8d: {  	s2 =	sadd.s32 s2, s17  }
0x8e: {  	[smem:$0x3FC5] =	sst s2  }
0x8f: {  	_ = 	snop  }
0x90: {  	s2 =	sld [smem:$0x3FC9]  }
0x91: {  	s18 =	sld [smem:$0x3FD0];
	(tm) =	ssettm $0x1  }
0x92: {  	s4 =	sld [smem:$0x3FFB];
	_ =	sdelay $0x3  }
0x93: {  	_ =	strace s4  }
0x94: {  	s4 =	sld [smem:$0x3FFC];
	_ =	sdelay $0x3  }
0x95: {  	_ =	strace s4  }
0x96: {  	s4 =	sld [smem:$0x3FFD];
	_ =	sdelay $0x3  }
0x97: {  	_ =	strace s4  }
0x98: {  	_ =	strace $0x8FFFFFFF  }
0x99: {  	s19 =	sld [smem:$0x3FDB];
	_ =	sdelay $0x1  }
0x9a: {  	s5 =	simm.s32 $_scs_section_size  }
0x9b: {  	s6 =	simm.s32 $_size__tile_overlayer_lowered;
	s7 =	simm.s32 $_tile_overlayer_lowered  }
0x9c: {  	s22 =	simm.s32 $0x1BFF;
	s21 =	sshll.u32 s7, $0x1;
	s4 =	sadd.s32 s5, s19  }
0x9d: {  	s8 =	simm.s32 $0x0;
	s20 =	sshll.u32 s6, $0x1;
	s6 =	sadd.s32 s21, s4  }
0x9e: {  	[timem:s8], [sflag:s22] =	dma.local [hbm:s6], s20  }
0x9f: {  	_ =	swait.ge [sflag:s22], s20  }
0xa0: {  	s5 =	ssub.s32 $0x0, s20;
	[sflag:s22] =	ssyncset.done $0x0  }
0xa1: {  	[sflag:s22] =	ssyncadd.s32 s5;
	_ =	sdelay $0x1  }
0xa2: {  	s23 =	simm.s32 $0x1B8B  }
0xa3: {  	_ =	swait.ge [sflag:s23], $0x1  }
0xa4: {  	[sflag:s23] =	ssyncset.done $0x0  }
0xa5: {  	s25 =	simm.s32 $0x1B8E;
	s24 =	sld [smem:$0x3FFE];
	[sflag:s23] =	ssyncadd.s32 $0xFFFFFFFF  }
0xa6: {  	s26 =	simm.s32 $execute0_lowered;
	[smem:$0x3FD2] =	sst s25  }
0xa7: {  	s6 =	sshll.u32 s26, $0x1;
	_ =	strace $0x80000046;
	[dreg:$0x1] =	wrdreg $0xFFFFFFFF  }
0xa8: {  	s28 =	simm.s32 $_size_execute0_lowered;
	s4 =	sadd.s32 s4, s6;
	[dreg:$0x0] =	wrdreg $0x0  }
0xa9: {  	s6 =	sshll.u32 s28, $0x1;
	[dreg:$0x2] =	wrdreg s4  }
0xaa: {  	[dreg:$0x3] =	wrdreg s6  }
0xab: {  	[dreg:$0x4] =	wrdreg $0xC0  }
0xac: {  	_ =	task [dreg:s8], $0x5FFFF  }
0xad: {  	[dreg:$0x1] =	wrdreg $0xFFFFFFFF  }
0xae: {  	[dreg:$0x0] =	wrdreg $0x60  }
0xaf: {  	[dreg:$0x2] =	wrdreg s2  }
0xb0: {  	[dreg:$0x3] =	wrdreg s24  }
0xb1: {  	[dreg:$0x4] =	wrdreg s18  }
0xb2: {  	[dreg:$0x5] =	wrdreg $0x9  }
0xb3: {  	_ =	task.clear_ibuf [dreg:s8], $0x6FFFF;
	_ =	strace $0x90000046  }
0xb4: {  	s29 =	simm.s32 $0x9;
	_ =	strace $0x80000048  }
0xb5: {  	_ =	swait.ge [sflag:s29], $0x1  }
0xb6: {  	[sflag:s29] =	ssyncadd.s32 $0xFFFFFFFF  }
0xb7: {  	_ =	strace $0x90000048  }
0xb8: {  	_ =	sfence  }
0xb9: {  	s30 =	sld [smem:$0x0];
	_ =	sdelay $0x2  }
0xba: {  	s31 =	sshll.u32 s1, $0xD;
	s1 =	sshrl.u32 s1, $0x2  }
0xbb: {  	s3 =	sand.u32 $0x4000, s31;
	s1 =	sadd.s32 s1, s30  }
0xbc: {  	s0 =	sor.u32 s3, s0;
	s1 =	sshll.u32 s1, $0x11  }
0xbd: {  	s0 =	sor.u32 s1, s0  }
0xbe: {  	s0 =	sadd.s32 $0x8F2B, s0  }
0xbf: {  	[sflag:s0] =	ssyncadd.remote.s32 $0x1  }
0xc0: {  	_ =	sfence.sel $0xFFFF  }
0xc1: {  	[dreg:$0x0] =	wrdreg $0xFFFFFFFF;
	(pc) =	sbr.abs _section_cstart, $3  }
0xc2: {  	[dreg:$0x1] =	wrdreg $0xFFFFFFFF  }
0xc3: {  	_ =	task.clear_ibuf [dreg:s8], $0x2FFFF;
	_ =	strace $0x9FFFFFFF  }
0xc4: {  	(tm) =	ssettm $0x7FFFFFFF  }
0xc5: {  	_ =	shalt  }
tec
execute0_lowered:
.L_overlay_start_1:
0x0: {  	(tag) =	ssettag $0x1  }
0x1: {  	s1 =	rddreg [dreg:$0x0]  }
0x2: {  	s7 =	rddreg [dreg:$0x1]  }
0x3: {  	s2 =	srdreg.scid;
	s0 =	stileid.u32  }
0x4: {  	s3 =	rddreg [dreg:$0x2];
	s4 =	simm.s32 $0x0;
	s12 =	simm.s32 $0x4  }
0x5: {  	s13 =	simm.s32 $0x80;
	s14 =	simm.s32 $0x100;
	s15 =	simm.s32 $0x2100  }
0x6: {  	s16 =	simm.s32 $0x1;
	s17 =	simm.s32 $0x3;
	s18 =	simm.s32 $0x2  }
0x7: {  	s5 =	sand.u32 $0x1, s2;
	s6 =	sshll.u32 s0, $0x1;
	s2 =	rddreg [dreg:$0x3]  }
0x8: {  	s19 =	simm.s32 $0x0;
	[smem:$0x7FF] =	sst s4;
	s6 =	sor.u32 s5, s6  }
0x9: {  	s8 =	ssub.s32 $0x2, s5;
	_ =	strace $0x80000047;
	s10 =	smul.u32 $0xC80, s6  }
0xa: {  	s5 =	smul.u32 $0xC8, s6;
	s9 =	sshrl.u32 s8, $0x1;
	s6 =	sadd.s32 $0xF50A00, s7  }
0xb: {  	v0 =	vlaneseq.u32;
	s7 =	sadd.s32 $0xA00, s7;
	s11 =	ssub.s32 s8, s9;
	s8 =	sadd.s32 s1, s10  }
0xc: {  	v1 =	vor.u32 $0x10, v0;
	v2 =	vor.u32 $0x20, v0;
	v3 =	vor.u32 $0x30, v0;
	s9 =	sor.u32 $0x2, s5;
	s10 =	smax.u32 s11, $0x1;
	s11 =	simm.s32 $0x4100  }
.LBB2_1:
0xd: {  	[tilespmem:s11], [sflag:$0x4] =	stream.linear.gather [hbm4b:s7+s4], $0x3200, $0x38;
	[tilespmem:$0x7300] =	vst v63  }
0xe: {  	_ =	swait.ge [sflag:s12], $0x3200  }
0xf: {  	[sflag:s12] =	ssyncset.done $0x0  }
0x10: {  	[sflag:s12] =	ssyncadd.s32 $0xFFFFCE00  }
0x11: {  	[tilespmem:s4], [sflag:$0x4] =	stream.linear.gather [hbm4b:s8+s4], $0x80, $0x38;
	[tilespmem:$0x7300] =	vst v63  }
0x12: {  	_ =	swait.ge [sflag:s12], $0x80  }
0x13: {  	[sflag:s12] =	ssyncset.done $0x0  }
0x14: {  	s20 =	simm.s32 $0x0;
	[sflag:s12] =	ssyncadd.s32 $0xFFFFFF80  }
0x15: {  	[tilespmem:s14], [sflag:$0x1] =	stream.indirect.gather [hbm4b:s6+s13], $0x40, s4, s13, $0xb8;
	[tilespmem:$0x7300] =	vst v63  }
.LBB2_2:
0x16: {  	s22 =	sshll.u32 s20, $0x1  }
0x17: {  	s23 =	sadd.s32 s5, s22  }
0x18: {  	s21 =	sadd.s32 $0x1, s23  }
0x19: {  	s24 =	sshll.u32 s21, $0x4  }
0x1a: {  	s24 =	sand.u32 $0x1FFFFFF0, s24  }
0x1b: {  	s25 =	simm.s32 $0x0;
	s24 =	sadd.s32 s1, s24  }
0x1c: {  	[tilespmem:s13], [sflag:$0x4] =	stream.linear.gather [hbm4b:s24+s25], $0x80, $0x38;
	[tilespmem:$0x7300] =	vst v63  }
0x1d: {  	s24 =	sshrl.u32 s23, $0x5;
	_ =	swait.ge [sflag:s12], $0x80  }
0x1e: {  	s31 =	sshll.u32 s24, $0x6;
	[sflag:s12] =	ssyncset.done $0x0  }
0x1f: {  	s26 =	simm.s32 $0x0;
	v4 =	vor.u32 s31, v0;
	[sflag:s12] =	ssyncadd.s32 $0xFFFFFF80  }
0x20: {  	v8 =	vor.u32 s26, v0;
	[tilespmem:s15], [sflag:$0x2] =	stream.indirect.gather [hbm4b:s6+s13], $0x40, s13, s13, $0xb8;
	[tilespmem:$0x7300] =	vst v63  }
0x21: {  	_ =	swait.ge [sflag:s16], $0x2000  }
0x22: {  	[sflag:s16] =	ssyncset.done $0x0  }
0x23: {  	[sflag:s16] =	ssyncadd.s32 $0xFFFFE000  }
0x24: {  	s30 =	sor.u32 $0x20, s31;
	v5 =	vld.idx.msk [tilespmem:v4+s11+$0x0], $0xffff  }
0x25: {  	s28 =	sor.u32 $0x10, s31;
	v6 =	vor.u32 s30, v0;
	v9 =	vld.idx.msk [tilespmem:v8+s14+$0x0], $0xffff  }
0x26: {  	s25 =	sor.u32 $0x30, s31;
	v4 =	vor.u32 s28, v0  }
0x27: {  	v10 =	vor.u32 s25, v0  }
0x28: {  	v11 =	vor.u32 s26, v1;
	_ =	sdelay $0x1  }
0x29: {  	v6 =	vld.idx.msk [tilespmem:v6+s11+$0x0], $0xffff;
	v9 =	vadd.f32 v9, v5  }
0x2a: {  	v7 =	vld.idx.msk [tilespmem:v4+s11+$0x0], $0xffff  }
0x2b: {  	v4 =	vld.idx.msk [tilespmem:v10+s11+$0x0], $0xffff;
	[tilespmem:v8+s14+$0x0] =	vst.idx.msk $0xffff, v9  }
0x2c: {  	v8 =	vld.idx.msk [tilespmem:v11+s14+$0x0], $0xffff;
	_ =	sdelay $0x2  }
0x2d: {  	v9 =	vor.u32 s26, v2;
	_ =	sdelay $0x1  }
0x2e: {  	v8 =	vadd.f32 v8, v7;
	_ =	sdelay $0x1  }
0x2f: {  	[tilespmem:v11+s14+$0x0] =	vst.idx.msk $0xffff, v8  }
0x30: {  	v8 =	vld.idx.msk [tilespmem:v9+s14+$0x0], $0xffff;
	_ =	sdelay $0x2  }
0x31: {  	v10 =	vor.u32 s26, v3;
	_ =	sdelay $0x1  }
0x32: {  	v8 =	vadd.f32 v8, v6;
	_ =	sdelay $0x1  }
0x33: {  	[tilespmem:v9+s14+$0x0] =	vst.idx.msk $0xffff, v8  }
0x34: {  	v8 =	vld.idx.msk [tilespmem:v10+s14+$0x0], $0xffff;
	_ =	sdelay $0x1  }
0x35: {  	s31 =	simm.s32 $0x40  }
0x36: {  	v9 =	vor.u32 s31, v0;
	_ =	sdelay $0x1  }
0x37: {  	v8 =	vadd.f32 v8, v4;
	_ =	sdelay $0x1  }
0x38: {  	[tilespmem:v10+s14+$0x0] =	vst.idx.msk $0xffff, v8  }
0x39: {  	v8 =	vld.idx.msk [tilespmem:v9+s14+$0x0], $0xffff;
	_ =	sdelay $0x2  }
0x3a: {  	v10 =	vor.u32 s31, v1;
	_ =	sdelay $0x1  }
0x3b: {  	v8 =	vadd.f32 v8, v5;
	_ =	sdelay $0x1  }
0x3c: {  	[tilespmem:v9+s14+$0x0] =	vst.idx.msk $0xffff, v8  }
0x3d: {  	v8 =	vld.idx.msk [tilespmem:v10+s14+$0x0], $0xffff;
	_ =	sdelay $0x2  }
0x3e: {  	v9 =	vor.u32 s31, v2;
	_ =	sdelay $0x1  }
0x3f: {  	v8 =	vadd.f32 v8, v7;
	_ =	sdelay $0x1  }
0x40: {  	[tilespmem:v10+s14+$0x0] =	vst.idx.msk $0xffff, v8  }
0x41: {  	v10 =	vld.idx.msk [tilespmem:v9+s14+$0x0], $0xffff;
	_ =	sdelay $0x2  }
0x42: {  	v8 =	vor.u32 s31, v3;
	_ =	sdelay $0x1  }
0x43: {  	v10 =	vadd.f32 v10, v6;
	_ =	sdelay $0x1  }
0x44: {  	[tilespmem:v9+s14+$0x0] =	vst.idx.msk $0xffff, v10  }
0x45: {  	v10 =	vld.idx.msk [tilespmem:v8+s14+$0x0], $0xffff;
	_ =	sdelay $0x1  }
0x46: {  	s29 =	simm.s32 $0x80  }
0x47: {  	v9 =	vor.u32 s29, v0;
	_ =	sdelay $0x1  }
0x48: {  	s25 =	simm.s32 $0xC0;
	s26 =	simm.s32 $0x4;
	v10 =	vadd.f32 v10, v4  }
.LBB2_3:
0x49: {  	_ = 	snop  }
0x4a: {  	p0 =	slt.u32 s26, $0x7E;
	s28 =	smov.u32 s26;
	s26 =	sadd.s32 $0x2, s26;
	[tilespmem:v8+s14+$0x0] =	vst.idx.msk $0xffff, v10  }
0x4b: {  	v8 =	vld.idx.msk [tilespmem:v9+s14+$0x0], $0xffff;
	_ =	sdelay $0x3  }
0x4c: {  	v10 =	vor.u32 s29, v1;
	_ =	sdelay $0x1  }
0x4d: {  	v8 =	vadd.f32 v8, v5;
	_ =	sdelay $0x1  }
0x4e: {  	[tilespmem:v9+s14+$0x0] =	vst.idx.msk $0xffff, v8  }
0x4f: {  	v8 =	vld.idx.msk [tilespmem:v10+s14+$0x0], $0xffff;
	_ =	sdelay $0x3  }
0x50: {  	v9 =	vor.u32 s29, v2;
	_ =	sdelay $0x1  }
0x51: {  	v8 =	vadd.f32 v8, v7;
	_ =	sdelay $0x1  }
0x52: {  	[tilespmem:v10+s14+$0x0] =	vst.idx.msk $0xffff, v8  }
0x53: {  	v8 =	vld.idx.msk [tilespmem:v9+s14+$0x0], $0xffff;
	_ =	sdelay $0x3  }
0x54: {  	v10 =	vor.u32 s29, v3;
	_ =	sdelay $0x1  }
0x55: {  	v8 =	vadd.f32 v8, v6;
	_ =	sdelay $0x1  }
0x56: {  	[tilespmem:v9+s14+$0x0] =	vst.idx.msk $0xffff, v8  }
0x57: {  	v8 =	vld.idx.msk [tilespmem:v10+s14+$0x0], $0xffff;
	_ =	sdelay $0x3  }
0x58: {  	v9 =	vor.u32 s25, v0;
	_ =	sdelay $0x1  }
0x59: {  	v8 =	vadd.f32 v8, v4;
	_ =	sdelay $0x1  }
0x5a: {  	[tilespmem:v10+s14+$0x0] =	vst.idx.msk $0xffff, v8  }
0x5b: {  	v8 =	vld.idx.msk [tilespmem:v9+s14+$0x0], $0xffff;
	_ =	sdelay $0x3  }
0x5c: {  	v10 =	vor.u32 s25, v1;
	_ =	sdelay $0x1  }
0x5d: {  	v8 =	vadd.f32 v8, v5;
	_ =	sdelay $0x1  }
0x5e: {  	[tilespmem:v9+s14+$0x0] =	vst.idx.msk $0xffff, v8  }
0x5f: {  	v8 =	vld.idx.msk [tilespmem:v10+s14+$0x0], $0xffff;
	_ =	sdelay $0x3  }
0x60: {  	v9 =	vor.u32 s25, v2;
	_ =	sdelay $0x1  }
0x61: {  	v8 =	vadd.f32 v8, v7;
	_ =	sdelay $0x1  }
0x62: {  	[tilespmem:v10+s14+$0x0] =	vst.idx.msk $0xffff, v8  }
0x63: {  	v10 =	vld.idx.msk [tilespmem:v9+s14+$0x0], $0xffff;
	_ =	sdelay $0x3  }
0x64: {  	v8 =	vor.u32 s25, v3;
	_ =	sdelay $0x1  }
0x65: {  	v10 =	vadd.f32 v10, v6;
	_ =	sdelay $0x1  }
0x66: {  	[tilespmem:v9+s14+$0x0] =	vst.idx.msk $0xffff, v10  }
0x67: {  	v10 =	vld.idx.msk [tilespmem:v8+s14+$0x0], $0xffff;
	_ =	sdelay $0x1  }
.Ltmp0:
0x68: {  	(pc) =	sbr.rel @p0 .LBB2_3-.Ltmp0, $3  }
0x69: {  	s29 =	sshll.u32 s28, $0x6  }
0x6a: {  	s25 =	sadd.s32 $0x40, s29;
	v9 =	vor.u32 s29, v0;
	_ =	sdelay $0x1  }
0x6b: {  	v10 =	vadd.f32 v10, v4  }
0x6c: {  	_ =	sdelay $0x3  }
0x6d: {  	[tilespmem:v8+s14+$0x0] =	vst.idx.msk $0xffff, v10  }
0x6e: {  	v8 =	vld.idx.msk [tilespmem:v9+s14+$0x0], $0xffff;
	_ =	sdelay $0x2  }
0x6f: {  	v10 =	vor.u32 s29, v1;
	_ =	sdelay $0x1  }
0x70: {  	v8 =	vadd.f32 v8, v5;
	_ =	sdelay $0x1  }
0x71: {  	[tilespmem:v9+s14+$0x0] =	vst.idx.msk $0xffff, v8  }
0x72: {  	v8 =	vld.idx.msk [tilespmem:v10+s14+$0x0], $0xffff;
	_ =	sdelay $0x2  }
0x73: {  	v9 =	vor.u32 s29, v2;
	_ =	sdelay $0x1  }
0x74: {  	v8 =	vadd.f32 v8, v7;
	_ =	sdelay $0x1  }
0x75: {  	[tilespmem:v10+s14+$0x0] =	vst.idx.msk $0xffff, v8  }
0x76: {  	v8 =	vld.idx.msk [tilespmem:v9+s14+$0x0], $0xffff;
	_ =	sdelay $0x2  }
0x77: {  	v10 =	vor.u32 s29, v3;
	_ =	sdelay $0x1  }
0x78: {  	v8 =	vadd.f32 v8, v6;
	_ =	sdelay $0x1  }
0x79: {  	[tilespmem:v9+s14+$0x0] =	vst.idx.msk $0xffff, v8  }
0x7a: {  	v8 =	vld.idx.msk [tilespmem:v10+s14+$0x0], $0xffff;
	_ =	sdelay $0x2  }
0x7b: {  	v9 =	vor.u32 s25, v0;
	_ =	sdelay $0x1  }
0x7c: {  	v8 =	vadd.f32 v8, v4;
	_ =	sdelay $0x1  }
0x7d: {  	[tilespmem:v10+s14+$0x0] =	vst.idx.msk $0xffff, v8  }
0x7e: {  	v8 =	vld.idx.msk [tilespmem:v9+s14+$0x0], $0xffff;
	_ =	sdelay $0x2  }
0x7f: {  	v10 =	vor.u32 s25, v1;
	_ =	sdelay $0x1  }
0x80: {  	v5 =	vadd.f32 v8, v5;
	_ =	sdelay $0x1  }
0x81: {  	[tilespmem:v9+s14+$0x0] =	vst.idx.msk $0xffff, v5  }
0x82: {  	v5 =	vld.idx.msk [tilespmem:v10+s14+$0x0], $0xffff;
	_ =	sdelay $0x2  }
0x83: {  	v8 =	vor.u32 s25, v2;
	_ =	sdelay $0x1  }
0x84: {  	v5 =	vadd.f32 v5, v7;
	_ =	sdelay $0x1  }
0x85: {  	[tilespmem:v10+s14+$0x0] =	vst.idx.msk $0xffff, v5  }
0x86: {  	v5 =	vld.idx.msk [tilespmem:v8+s14+$0x0], $0xffff;
	_ =	sdelay $0x2  }
0x87: {  	v7 =	vor.u32 s25, v3;
	_ =	sdelay $0x1  }
0x88: {  	v5 =	vadd.f32 v5, v6;
	_ =	sdelay $0x1  }
0x89: {  	[tilespmem:v8+s14+$0x0] =	vst.idx.msk $0xffff, v5  }
0x8a: {  	v5 =	vld.idx.msk [tilespmem:v7+s14+$0x0], $0xffff;
	_ =	sdelay $0x3  }
0x8b: {  	s23 =	sshll.u32 s23, $0xA  }
0x8c: {  	s23 =	sand.u32 $0x7800, s23;
	v4 =	vadd.f32 v5, v4  }
0x8d: {  	s24 =	sshll.u32 s24, $0xF;
	p0 =	seq.s32 s20, $0x63;
	s23 =	sadd.s32 s3, s23  }
0x8e: {  	s22 =	sadd.s32 @!p0 s22, s9;
	s23 =	sadd.s32 s24, s23;
	[tilespmem:v7+s14+$0x0] =	vst.idx.msk $0xffff, v4  }
0x8f: {  	[hbm4b:s23+s4] =	stream.linear.scatter [tilespmem:s14], [sflag:$0x3], $0x2000, $0x38;
	[tilespmem:$0x7300] =	vst v63  }
0x90: {  	s22 =	sshll.u32 @!p0 s22, $0x4;
	_ =	swait.ge [sflag:s17], $0x2000  }
0x91: {  	s22 =	sand.u32 @!p0 $0x1FFFFFE0, s22;
	s24 =	simm.s32 @!p0 $0x4;
	[sflag:s17] =	ssyncset.done $0x0  }
0x92: {  	s22 =	sadd.s32 @!p0 s1, s22;
	s23 =	simm.s32 @!p0 $0x0;
	[sflag:s17] =	ssyncadd.s32 $0xFFFFE000  }
0x93: {  	[tilespmem:s23], [sflag:$0x4] =	stream.linear.gather @!p0 [hbm4b:s22+s23], $0x80, $0x38;
	[tilespmem:$0x7300] =	vst v63  }
0x94: {  	s22 =	sshrl.u32 s21, $0x5;
	_ =	swait.ge @!p0 [sflag:s24], $0x80  }
0x95: {  	s28 =	simm.s32 $0x0;
	s31 =	sshll.u32 s22, $0x6;
	[sflag:s24] =	ssyncset.done @!p0 $0x0  }
0x96: {  	s26 =	simm.s32 @!p0 $0x100;
	s25 =	simm.s32 @!p0 $0x80;
	v4 =	vor.u32 s31, v0;
	[sflag:s24] =	ssyncadd.s32 @!p0 $0xFFFFFF80  }
0x97: {  	v8 =	vor.u32 s28, v0;
	[tilespmem:s26], [sflag:$0x1] =	stream.indirect.gather @!p0 [hbm4b:s6+s25], $0x40, s23, s25, $0xb8;
	[tilespmem:$0x7300] =	vst v63  }
0x98: {  	_ =	swait.ge [sflag:s18], $0x2000  }
0x99: {  	[sflag:s18] =	ssyncset.done $0x0  }
0x9a: {  	[sflag:s18] =	ssyncadd.s32 $0xFFFFE000  }
0x9b: {  	s29 =	sor.u32 $0x20, s31;
	v5 =	vld.idx.msk [tilespmem:v4+s11+$0x0], $0xffff  }
0x9c: {  	v6 =	vor.u32 s29, v0;
	s26 =	sor.u32 $0x10, s31;
	v9 =	vld.idx.msk [tilespmem:v8+s15+$0x0], $0xffff  }
0x9d: {  	s30 =	sor.u32 $0x30, s31;
	v4 =	vor.u32 s26, v0  }
0x9e: {  	v10 =	vor.u32 s30, v0  }
0x9f: {  	v11 =	vor.u32 s28, v1;
	_ =	sdelay $0x1  }
0xa0: {  	v6 =	vld.idx.msk [tilespmem:v6+s11+$0x0], $0xffff;
	v9 =	vadd.f32 v9, v5  }
0xa1: {  	v7 =	vld.idx.msk [tilespmem:v4+s11+$0x0], $0xffff  }
0xa2: {  	v4 =	vld.idx.msk [tilespmem:v10+s11+$0x0], $0xffff;
	[tilespmem:v8+s15+$0x0] =	vst.idx.msk $0xffff, v9  }
0xa3: {  	v8 =	vld.idx.msk [tilespmem:v11+s15+$0x0], $0xffff;
	_ =	sdelay $0x2  }
0xa4: {  	v9 =	vor.u32 s28, v2;
	_ =	sdelay $0x1  }
0xa5: {  	v8 =	vadd.f32 v8, v7;
	_ =	sdelay $0x1  }
0xa6: {  	[tilespmem:v11+s15+$0x0] =	vst.idx.msk $0xffff, v8  }
0xa7: {  	v8 =	vld.idx.msk [tilespmem:v9+s15+$0x0], $0xffff;
	_ =	sdelay $0x2  }
0xa8: {  	v10 =	vor.u32 s28, v3;
	_ =	sdelay $0x1  }
0xa9: {  	v8 =	vadd.f32 v8, v6;
	_ =	sdelay $0x1  }
0xaa: {  	[tilespmem:v9+s15+$0x0] =	vst.idx.msk $0xffff, v8  }
0xab: {  	v8 =	vld.idx.msk [tilespmem:v10+s15+$0x0], $0xffff;
	_ =	sdelay $0x1  }
0xac: {  	s31 =	simm.s32 $0x40  }
0xad: {  	v9 =	vor.u32 s31, v0;
	_ =	sdelay $0x1  }
0xae: {  	v8 =	vadd.f32 v8, v4;
	_ =	sdelay $0x1  }
0xaf: {  	[tilespmem:v10+s15+$0x0] =	vst.idx.msk $0xffff, v8  }
0xb0: {  	v8 =	vld.idx.msk [tilespmem:v9+s15+$0x0], $0xffff;
	_ =	sdelay $0x2  }
0xb1: {  	v10 =	vor.u32 s31, v1;
	_ =	sdelay $0x1  }
0xb2: {  	v8 =	vadd.f32 v8, v5;
	_ =	sdelay $0x1  }
0xb3: {  	[tilespmem:v9+s15+$0x0] =	vst.idx.msk $0xffff, v8  }
0xb4: {  	v8 =	vld.idx.msk [tilespmem:v10+s15+$0x0], $0xffff;
	_ =	sdelay $0x2  }
0xb5: {  	v9 =	vor.u32 s31, v2;
	_ =	sdelay $0x1  }
0xb6: {  	v8 =	vadd.f32 v8, v7;
	_ =	sdelay $0x1  }
0xb7: {  	[tilespmem:v10+s15+$0x0] =	vst.idx.msk $0xffff, v8  }
0xb8: {  	v10 =	vld.idx.msk [tilespmem:v9+s15+$0x0], $0xffff;
	_ =	sdelay $0x2  }
0xb9: {  	v8 =	vor.u32 s31, v3;
	_ =	sdelay $0x1  }
0xba: {  	v10 =	vadd.f32 v10, v6;
	_ =	sdelay $0x1  }
0xbb: {  	[tilespmem:v9+s15+$0x0] =	vst.idx.msk $0xffff, v10  }
0xbc: {  	v10 =	vld.idx.msk [tilespmem:v8+s15+$0x0], $0xffff;
	_ =	sdelay $0x1  }
0xbd: {  	s26 =	simm.s32 $0x80  }
0xbe: {  	v9 =	vor.u32 s26, v0;
	_ =	sdelay $0x1  }
0xbf: {  	s24 =	simm.s32 $0x4;
	s23 =	simm.s32 $0xC0;
	v10 =	vadd.f32 v10, v4  }
.LBB2_5:
0xc0: {  	_ = 	snop  }
0xc1: {  	p0 =	slt.u32 s24, $0x7E;
	s25 =	smov.u32 s24;
	s24 =	sadd.s32 $0x2, s24;
	[tilespmem:v8+s15+$0x0] =	vst.idx.msk $0xffff, v10  }
0xc2: {  	v8 =	vld.idx.msk [tilespmem:v9+s15+$0x0], $0xffff;
	_ =	sdelay $0x3  }
0xc3: {  	v10 =	vor.u32 s26, v1;
	_ =	sdelay $0x1  }
0xc4: {  	v8 =	vadd.f32 v8, v5;
	_ =	sdelay $0x1  }
0xc5: {  	[tilespmem:v9+s15+$0x0] =	vst.idx.msk $0xffff, v8  }
0xc6: {  	v8 =	vld.idx.msk [tilespmem:v10+s15+$0x0], $0xffff;
	_ =	sdelay $0x3  }
0xc7: {  	v9 =	vor.u32 s26, v2;
	_ =	sdelay $0x1  }
0xc8: {  	v8 =	vadd.f32 v8, v7;
	_ =	sdelay $0x1  }
0xc9: {  	[tilespmem:v10+s15+$0x0] =	vst.idx.msk $0xffff, v8  }
0xca: {  	v8 =	vld.idx.msk [tilespmem:v9+s15+$0x0], $0xffff;
	_ =	sdelay $0x3  }
0xcb: {  	v10 =	vor.u32 s26, v3;
	_ =	sdelay $0x1  }
0xcc: {  	v8 =	vadd.f32 v8, v6;
	_ =	sdelay $0x1  }
0xcd: {  	[tilespmem:v9+s15+$0x0] =	vst.idx.msk $0xffff, v8  }
0xce: {  	v8 =	vld.idx.msk [tilespmem:v10+s15+$0x0], $0xffff;
	_ =	sdelay $0x3  }
0xcf: {  	v9 =	vor.u32 s23, v0;
	_ =	sdelay $0x1  }
0xd0: {  	v8 =	vadd.f32 v8, v4;
	_ =	sdelay $0x1  }
0xd1: {  	[tilespmem:v10+s15+$0x0] =	vst.idx.msk $0xffff, v8  }
0xd2: {  	v8 =	vld.idx.msk [tilespmem:v9+s15+$0x0], $0xffff;
	_ =	sdelay $0x3  }
0xd3: {  	v10 =	vor.u32 s23, v1;
	_ =	sdelay $0x1  }
0xd4: {  	v8 =	vadd.f32 v8, v5;
	_ =	sdelay $0x1  }
0xd5: {  	[tilespmem:v9+s15+$0x0] =	vst.idx.msk $0xffff, v8  }
0xd6: {  	v8 =	vld.idx.msk [tilespmem:v10+s15+$0x0], $0xffff;
	_ =	sdelay $0x3  }
0xd7: {  	v9 =	vor.u32 s23, v2;
	_ =	sdelay $0x1  }
0xd8: {  	v8 =	vadd.f32 v8, v7;
	_ =	sdelay $0x1  }
0xd9: {  	[tilespmem:v10+s15+$0x0] =	vst.idx.msk $0xffff, v8  }
0xda: {  	v10 =	vld.idx.msk [tilespmem:v9+s15+$0x0], $0xffff;
	_ =	sdelay $0x3  }
0xdb: {  	v8 =	vor.u32 s23, v3;
	_ =	sdelay $0x1  }
0xdc: {  	v10 =	vadd.f32 v10, v6;
	_ =	sdelay $0x1  }
0xdd: {  	[tilespmem:v9+s15+$0x0] =	vst.idx.msk $0xffff, v10  }
0xde: {  	v10 =	vld.idx.msk [tilespmem:v8+s15+$0x0], $0xffff;
	_ =	sdelay $0x1  }
.Ltmp1:
0xdf: {  	(pc) =	sbr.rel @p0 .LBB2_5-.Ltmp1, $3  }
0xe0: {  	s26 =	sshll.u32 s25, $0x6  }
0xe1: {  	s23 =	sadd.s32 $0x40, s26;
	v9 =	vor.u32 s26, v0;
	_ =	sdelay $0x1  }
0xe2: {  	v10 =	vadd.f32 v10, v4  }
0xe3: {  	_ =	sdelay $0x3  }
0xe4: {  	[tilespmem:v8+s15+$0x0] =	vst.idx.msk $0xffff, v10  }
0xe5: {  	v8 =	vld.idx.msk [tilespmem:v9+s15+$0x0], $0xffff;
	_ =	sdelay $0x2  }
0xe6: {  	v57 =	vor.u32 s26, v1;
	_ =	sdelay $0x1  }
0xe7: {  	v8 =	vadd.f32 v8, v5;
	_ =	sdelay $0x1  }
0xe8: {  	[tilespmem:v9+s15+$0x0] =	vst.idx.msk $0xffff, v8  }
0xe9: {  	v8 =	vld.idx.msk [tilespmem:v57+s15+$0x0], $0xffff;
	_ =	sdelay $0x2  }
0xea: {  	v58 =	vor.u32 s26, v2;
	_ =	sdelay $0x1  }
0xeb: {  	v8 =	vadd.f32 v8, v7;
	_ =	sdelay $0x1  }
0xec: {  	[tilespmem:v57+s15+$0x0] =	vst.idx.msk $0xffff, v8  }
0xed: {  	v8 =	vld.idx.msk [tilespmem:v58+s15+$0x0], $0xffff;
	_ =	sdelay $0x2  }
0xee: {  	v59 =	vor.u32 s26, v3;
	_ =	sdelay $0x1  }
0xef: {  	v8 =	vadd.f32 v8, v6;
	_ =	sdelay $0x1  }
0xf0: {  	[tilespmem:v58+s15+$0x0] =	vst.idx.msk $0xffff, v8  }
0xf1: {  	v8 =	vld.idx.msk [tilespmem:v59+s15+$0x0], $0xffff;
	_ =	sdelay $0x2  }
0xf2: {  	v60 =	vor.u32 s23, v0;
	_ =	sdelay $0x1  }
0xf3: {  	v8 =	vadd.f32 v8, v4;
	_ =	sdelay $0x1  }
0xf4: {  	[tilespmem:v59+s15+$0x0] =	vst.idx.msk $0xffff, v8  }
0xf5: {  	v8 =	vld.idx.msk [tilespmem:v60+s15+$0x0], $0xffff;
	_ =	sdelay $0x2  }
0xf6: {  	v61 =	vor.u32 s23, v1;
	_ =	sdelay $0x1  }
0xf7: {  	v5 =	vadd.f32 v8, v5;
	_ =	sdelay $0x1  }
0xf8: {  	[tilespmem:v60+s15+$0x0] =	vst.idx.msk $0xffff, v5  }
0xf9: {  	v5 =	vld.idx.msk [tilespmem:v61+s15+$0x0], $0xffff;
	_ =	sdelay $0x2  }
0xfa: {  	v62 =	vor.u32 s23, v2;
	_ =	sdelay $0x1  }
0xfb: {  	v5 =	vadd.f32 v5, v7;
	_ =	sdelay $0x1  }
0xfc: {  	[tilespmem:v61+s15+$0x0] =	vst.idx.msk $0xffff, v5  }
0xfd: {  	v5 =	vld.idx.msk [tilespmem:v62+s15+$0x0], $0xffff;
	_ =	sdelay $0x2  }
0xfe: {  	v63 =	vor.u32 s23, v3;
	_ =	sdelay $0x1  }
0xff: {  	v5 =	vadd.f32 v5, v6;
	_ =	sdelay $0x1  }
0x100: {  	[tilespmem:v62+s15+$0x0] =	vst.idx.msk $0xffff, v5  }
0x101: {  	v5 =	vld.idx.msk [tilespmem:v63+s15+$0x0], $0xffff;
	_ =	sdelay $0x3  }
0x102: {  	s21 =	sshll.u32 s21, $0xA  }
0x103: {  	s20 =	sadd.s32 $0x1, s20;
	s21 =	sand.u32 $0x7C00, s21;
	v4 =	vadd.f32 v5, v4  }
0x104: {  	s22 =	sshll.u32 s22, $0xF;
	p0 =	sne.s32 s20, $0x64;
	s21 =	sadd.s32 s3, s21  }
.Ltmp2:
0x105: {  	s21 =	sadd.s32 s22, s21;
	[tilespmem:v63+s15+$0x0] =	vst.idx.msk $0xffff, v4;
	(pc) =	sbr.rel @p0 .LBB2_2-.Ltmp2, $4  }
0x106: {  	[hbm4b:s21+s4] =	stream.linear.scatter [tilespmem:s15], [sflag:$0x3], $0x2000, $0x38;
	[tilespmem:$0x7300] =	vst v63  }
0x107: {  	_ =	swait.ge [sflag:s17], $0x2000  }
0x108: {  	[sflag:s17] =	ssyncset.done $0x0  }
0x109: {  	[sflag:s17] =	ssyncadd.s32 $0xFFFFE000  }
0x10a: {  	s19 =	sadd.s32 $0x1, s19  }
0x10b: {  	p0 =	sne.s32 s19, s10  }
.Ltmp3:
0x10c: {  	_ = 	snop;
	(pc) =	sbr.rel @p0 .LBB2_1-.Ltmp3, $1  }
0x10d: {  	_ =	sdelay $0x3  }
0x10e: {  	_ =	sfence.sel $0x180000  }
0x10f: {  	[bflag:$0x0] =	sbarrier.arrive $0xFFFF  }
0x110: {  	p0 =	sne.s32 s0, $0x0;
	_ =	strace $0x90000047  }
0x111: {  	s0 =	sadd.s32 @!p0 $0x100000, s2;
	[bflag:$0x2] =	sbarrier.arrive $0xFFFF  }
0x112: {  	[sflag:s0] =	ssyncadd.tile.s32 @!p0 $0x1;
	_ =	shalt  }
.Lfunc_end2:
_tile_overlayer_lowered:
.L_overlay_start_2:
0x113: {  	(tag) =	ssettag $0x2  }
0x114: {  	s0 =	rddreg [dreg:$0x0];
	s2 =	stileid.u32  }
0x115: {  	s1 =	rddreg [dreg:$0x1];
	p0 =	sne.s32 s2, $0x0  }
0x116: {  	s3 =	rddreg [dreg:$0x2];
	[bflag:$0x3] =	sbarrier.arrive $0xFFFF;
	s2 =	simm.s32 @!p0 $0x1C04  }
0x117: {  	[timem:s3], [sflag:s2] =	dma.local @!p0 [hbm:s0], s1  }
0x118: {  	s0 =	simm.s32 @!p0 $0x4  }
0x119: {  	_ =	swait.ge @!p0 [sflag:s0], s1  }
0x11a: {  	s1 =	ssub.s32 @!p0 $0x0, s1;
	[sflag:s0] =	ssyncset.done @!p0 $0x0  }
0x11b: {  	[sflag:s0] =	ssyncadd.s32 @!p0 s1  }
0x11c: {  	[bflag:$0x3] =	sbarrier.arrive $0xFFFF  }
0x11d: {  	_ =	shalt  }

// kernel: sparse-core-data-format-call.cloned.1.call-start
scs
called_computation_lowered:
.L_overlay_start_0:
0x0: {  	s2 =	sld [smem:$0x3FD9]  }
0x1: {  	s3 =	sld [smem:$0x3FFE];
	_ =	sdelay $0x1  }
0x2: {  	s1 =	srdreg.scid  }
0x3: {  	s0 =	sand.u32 $0x1, s1  }
0x4: {  	s18 =	sshll.u32 s0, $0xA;
	s2 =	sadd.s32 s3, s2  }
0x5: {  	s2 =	sadd.s32 s2, s18  }
0x6: {  	[smem:$0x3FC5] =	sst s2  }
0x7: {  	_ = 	snop  }
0x8: {  	s2 =	sld [smem:$0x3FD0];
	(tm) =	ssettm $0x1  }
0x9: {  	s19 =	sld [smem:$0x3FFB];
	_ =	sdelay $0x3  }
0xa: {  	_ =	strace s19  }
0xb: {  	s3 =	sld [smem:$0x3FFC];
	_ =	sdelay $0x3  }
0xc: {  	_ =	strace s3  }
0xd: {  	s3 =	sld [smem:$0x3FFD];
	_ =	sdelay $0x3  }
0xe: {  	_ =	strace s3  }
0xf: {  	_ =	strace $0x8FFFFFFF  }
0x10: {  	s20 =	sld [smem:$0x3FDB];
	_ =	sdelay $0x1  }
0x11: {  	s4 =	simm.s32 $_scs_section_size  }
0x12: {  	s5 =	simm.s32 $_size__tile_overlayer_lowered;
	s6 =	simm.s32 $_tile_overlayer_lowered  }
0x13: {  	s23 =	simm.s32 $0x1BFF;
	s22 =	sshll.u32 s6, $0x1;
	s3 =	sadd.s32 s4, s20  }
0x14: {  	s7 =	simm.s32 $0x0;
	s21 =	sshll.u32 s5, $0x1;
	s5 =	sadd.s32 s22, s3  }
0x15: {  	[timem:s7], [sflag:s23] =	dma.local [hbm:s5], s21  }
0x16: {  	_ =	swait.ge [sflag:s23], s21  }
0x17: {  	s4 =	ssub.s32 $0x0, s21;
	[sflag:s23] =	ssyncset.done $0x0  }
0x18: {  	[sflag:s23] =	ssyncadd.s32 s4;
	_ =	sdelay $0x1  }
0x19: {  	s24 =	simm.s32 $0x1B8B  }
0x1a: {  	_ =	swait.ge [sflag:s24], $0x1  }
0x1b: {  	[sflag:s24] =	ssyncset.done $0x0  }
0x1c: {  	s26 =	simm.s32 $0x1B8E;
	s25 =	sld [smem:$0x3FFE];
	[sflag:s24] =	ssyncadd.s32 $0xFFFFFFFF  }
0x1d: {  	s27 =	simm.s32 $execute0_lowered;
	[smem:$0x3FD2] =	sst s26  }
0x1e: {  	s5 =	sshll.u32 s27, $0x1;
	_ =	strace $0x80000049;
	[dreg:$0x1] =	wrdreg $0xFFFFFFFF  }
0x1f: {  	s28 =	simm.s32 $_size_execute0_lowered;
	s3 =	sadd.s32 s3, s5;
	[dreg:$0x0] =	wrdreg $0x0  }
0x20: {  	s5 =	sshll.u32 s28, $0x1;
	[dreg:$0x2] =	wrdreg s3  }
0x21: {  	[dreg:$0x3] =	wrdreg s5  }
0x22: {  	[dreg:$0x4] =	wrdreg $0xC0  }
0x23: {  	_ =	task [dreg:s7], $0x5FFFF  }
0x24: {  	[dreg:$0x1] =	wrdreg $0xFFFFFFFF  }
0x25: {  	[dreg:$0x0] =	wrdreg $0x60  }
0x26: {  	[dreg:$0x2] =	wrdreg s25  }
0x27: {  	[dreg:$0x3] =	wrdreg s2  }
0x28: {  	[dreg:$0x4] =	wrdreg $0x9  }
0x29: {  	_ =	task.clear_ibuf [dreg:s7], $0x5FFFF;
	_ =	strace $0x90000049  }
0x2a: {  	s29 =	simm.s32 $0x9;
	_ =	strace $0x8000004B  }
0x2b: {  	_ =	swait.ge [sflag:s29], $0x1  }
0x2c: {  	[sflag:s29] =	ssyncadd.s32 $0xFFFFFFFF  }
0x2d: {  	_ =	strace $0x9000004B  }
0x2e: {  	_ =	sfence  }
0x2f: {  	s30 =	sld [smem:$0x0];
	_ =	sdelay $0x2  }
0x30: {  	s31 =	sshll.u32 s1, $0xD;
	s1 =	sshrl.u32 s1, $0x2  }
0x31: {  	s3 =	sand.u32 $0x4000, s31;
	s1 =	sadd.s32 s1, s30  }
0x32: {  	s0 =	sor.u32 s3, s0;
	s1 =	sshll.u32 s1, $0x11  }
0x33: {  	s0 =	sor.u32 s1, s0  }
0x34: {  	s0 =	sadd.s32 $0x8F2B, s0  }
0x35: {  	[sflag:s0] =	ssyncadd.remote.s32 $0x1  }
0x36: {  	_ =	sfence.sel $0xFFFF  }
0x37: {  	[dreg:$0x0] =	wrdreg $0xFFFFFFFF;
	(pc) =	sbr.abs _section_cstart, $3  }
0x38: {  	[dreg:$0x1] =	wrdreg $0xFFFFFFFF  }
0x39: {  	_ =	task.clear_ibuf [dreg:s7], $0x2FFFF;
	_ =	strace $0x9FFFFFFF  }
0x3a: {  	(tm) =	ssettm $0x7FFFFFFF  }
0x3b: {  	_ =	shalt  }
tec
execute0_lowered:
.L_overlay_start_1:
0x0: {  	(tag) =	ssettag $0x1  }
0x1: {  	s5 =	rddreg [dreg:$0x0];
	s0 =	srdreg.scid  }
0x2: {  	s2 =	rddreg [dreg:$0x1];
	s1 =	stileid.u32  }
0x3: {  	s31 =	simm.s32 $0x2;
	s13 =	simm.s32 $0x0;
	s3 =	sshll.u32 s0, $0x4  }
0x4: {  	s12 =	simm.s32 $0x0;
	s4 =	sand.u32 $0x1, s1;
	s3 =	sor.u32 s1, s3  }
0x5: {  	s0 =	rddreg [dreg:$0x2];
	s29 =	ssub.s32 $0xC8, s4;
	s3 =	sand.u32 $0x1E, s3  }
0x6: {  	_ =	strace $0x8000004A;
	s9 =	sshrl.u32 s29, $0x1;
	s7 =	ssub.s32 $0x20, s3  }
0x7: {  	s10 =	sand.u32 $0x1, s29;
	s6 =	sshll.u32 s3, $0xB;
	s30 =	sand.u32 $0x1E, s7  }
0x8: {  	s8 =	sadd.s32 s6, s5;
	s6 =	simm.s32 $0x1;
	p0 =	sne.s32 s30, $0x0  }
.Ltmp0:
0x9: {  	s7 =	sshrl.u32 s7, $0x5;
	s6 =	simm.s32 @!p0 $0x0;
	(pc) =	sbr.rel .LBB1_1-.Ltmp0, $4  }
0xa: {  	s9 =	sadd.s32 s10, s9;
	s5 =	simm.s32 $0x1;
	s6 =	sadd.s32 s6, s7  }
0xb: {  	s11 =	simm.s32 $0x0;
	[sflag:s5] =	ssyncpa.u1 $0x0;
	s6 =	smul.u32 s9, s6  }
0xc: {  	s10 =	smov.u32 s4;
	[sflag:s31] =	ssyncpa.u1 $0x0;
	p0 =	por $0x0, $0x0  }
0xd: {  	s7 =	sadd.s32 $0xA00, s8;
	s9 =	simm.s32 $0x0;
	s8 =	sadd.s32 $0x1, s6  }
.LBB1_7:
0xe: {  	s14 =	sadd.s32 $0x2, s10  }
0xf: {  	p2 =	sgt.s32 s14, $0xC7  }
0x10: {  	s14 =	smov.u32 @p2 s4;
	p2 =	sne.s32 s11, s8  }
.Ltmp1:
0x11: {  	p1 =	slt.u32 s11, $0x2;
	(pc) =	sbr.rel @!p2 .LBB1_8-.Ltmp1, $4  }
0x12: {  	s13 =	simm.s32 @!p1 $0x2  }
0x13: {  	s15 =	sadd.s32 $0x1, s11;
	s12 =	smov.u32 s10;
	_ =	swait.ge @!p1 [sflag:s13], $0x4000  }
0x14: {  	p0 =	por !p0, !p0;
	s11 =	smov.u32 s15;
	[sflag:s13] =	ssyncset.done @!p1 $0x0  }
0x15: {  	s10 =	smov.u32 s14;
	[sflag:s13] =	ssyncadd.s32 @!p1 $0xFFFFC000;
	s13 =	smov.u32 s3  }
.LBB1_1:
0x16: {  	p1 =	sge.u32 s11, s6  }
0x17: {  	s31 =	sadd.s32 $0xFFFFFFFF, s11;
	s14 =	sxor.u32 @!p1 $0xFFFFFFFF, s11  }
0x18: {  	s15 =	sshll.u32 @!p1 s10, $0x10;
	s16 =	simm.s32 @!p1 $0x40;
	s14 =	sshll.u32 @!p1 s14, $0xE  }
0x19: {  	s17 =	simm.s32 @!p1 $0x80;
	s15 =	sadd.s32 @!p1 s15, s7;
	s14 =	sand.u32 @!p1 $0x4000, s14  }
0x1a: {  	[tilespmem:s14], [sflag:$0x1] =	stream.strided.gather @!p1 [hbm4b:s15+s16], $0x4000, s17, s16, $0x38;
	[tilespmem:$0x10100] =	vst v63  }
0x1b: {  	p1 =	sge.u32 s31, s6  }
.Ltmp2:
0x1c: {  	_ = 	snop;
	(pc) =	sbr.rel @p1 .LBB1_7-.Ltmp2, $1  }
0x1d: {  	_ =	sdelay $0x3  }
0x1e: {  	s14 =	simm.s32 $0x1;
	s16 =	sand.u32 $0x1, s11  }
0x1f: {  	_ =	swait.ge [sflag:s5], $0x4000;
	s14 =	simm.s32 @!p0 $0x0;
	s16 =	smul.u32 $0x10200, s16  }
0x20: {  	p2 =	por $0x1, $0x1;
	[sflag:s5] =	ssyncset.done $0x0;
	s15 =	smul.u32 $0x10200, s14  }
0x21: {  	s17 =	sshll.u32 s14, $0x10;
	[sflag:s5] =	ssyncadd.s32 $0xFFFFC000;
	s30 =	sshrl.u32 s16, $0x2  }
0x22: {  	s31 =	sshrl.u32 s17, $0x2;
	s17 =	simm.s32 $0x0;
	s15 =	sshrl.u32 s15, $0x2  }
0x23: {  	s14 =	sor.u32 $0x8000, s30;
	s16 =	sadd.s32 $0x20, s31;
	s15 =	sor.u32 $0x8000, s15  }
.LBB1_3:
0x24: {  	s18 =	sshll.u32 s17, $0xD  }
0x25: {  	s18 =	sand.u32 $0x3FFFE000, s18  }
0x26: {  	s20 =	sadd.s32 s18, s16  }
0x27: {  	s31 =	smul.u32 $0x8100, s17;
	v3 =	vld [tilespmem:s20+$0x10]  }
0x28: {  	v1 =	vld [tilespmem:s20+$0xFFFFFFF0]  }
0x29: {  	s17 =	sshra.s32 s31, $0x2;
	v0 =	vld [tilespmem:s20+$0x0]  }
0x2a: {  	s17 =	sadd.s32 s17, s15;
	v2 =	vld [tilespmem:s20+$0xFFFFFFE0]  }
0x2b: {  	s18 =	sadd.s32 $0x0, s17  }
0x2c: {  	p1 =	por p2, p2;
	s19 =	simm.s32 $0x4;
	s20 =	sadd.s32 $0x40, s20;
	[tilespmem:s18+$0x1830 ss:$0x81] =	vst.msk $0xffff, v3  }
.LBB1_4:
0x2d: {  	v3 =	vld [tilespmem:s20+$0x10];
	p2 =	sne.s32 s19, $0x1FC;
	[tilespmem:s18+$0x810 ss:$0x81] =	vst.msk $0xffff, v1;
	s21 =	smov.u32 s19;
	s19 =	sadd.s32 $0x4, s19  }
.Ltmp3:
0x2e: {  	v1 =	vld [tilespmem:s20+$0xFFFFFFF0];
	[tilespmem:s18+$0x1020 ss:$0x81] =	vst.msk $0xffff, v0;
	(pc) =	sbr.rel @p2 .LBB1_4-.Ltmp3, $4  }
0x2f: {  	v0 =	vld [tilespmem:s20+$0x0];
	[tilespmem:s18+$0x0 ss:$0x81] =	vst.msk $0xffff, v2  }
0x30: {  	s18 =	sshra.s32 s21, $0x2;
	v2 =	vld [tilespmem:s20+$0xFFFFFFE0]  }
0x31: {  	s18 =	sadd.s32 s18, s17  }
0x32: {  	s20 =	sadd.s32 $0x40, s20;
	[tilespmem:s18+$0x1830 ss:$0x81] =	vst.msk $0xffff, v3  }
.Ltmp4:
0x33: {  	(pc) =	sbr.rel @p1 .LBB1_3-.Ltmp4, $4  }
0x34: {  	_ = 	snop  }
0x35: {  	[tilespmem:s18+$0x810 ss:$0x81] =	vst.msk $0xffff, v1  }
0x36: {  	[tilespmem:s18+$0x1020 ss:$0x81] =	vst.msk $0xffff, v0  }
0x37: {  	s17 =	simm.s32 $0x1;
	p2 =	por $0x0, $0x0;
	[tilespmem:s18+$0x0 ss:$0x81] =	vst.msk $0xffff, v2  }
.Ltmp5:
0x38: {  	(pc) =	sbr.rel .LBB1_7-.Ltmp5, $4  }
0x39: {  	s12 =	sshll.u32 s12, $0xF  }
0x3a: {  	s13 =	sshll.u32 s13, $0xA;
	s12 =	sadd.s32 s2, s12  }
0x3b: {  	s12 =	sadd.s32 s13, s12  }
0x3c: {  	[hbm4b:s12+s9] =	stream.linear.scatter [tilespmem:s14], [sflag:$0x2], $0x4000, $0x20;
	[tilespmem:$0x10100] =	vst v63  }
.LBB1_8:
0x3d: {  	_ =	sfence.sel $0x180000  }
0x3e: {  	s2 =	simm.s32 $0x1;
	[bflag:$0x0] =	sbarrier.arrive $0xFFFF  }
0x3f: {  	s31 =	simm.s32 $0x2;
	[sflag:s2] =	ssyncpa.u1 $0x1  }
0x40: {  	[sflag:s31] =	ssyncpa.u1 $0x1  }
0x41: {  	p0 =	sne.s32 s1, $0x0;
	_ =	strace $0x9000004A  }
0x42: {  	s0 =	sadd.s32 @!p0 $0x100000, s0;
	[bflag:$0x2] =	sbarrier.arrive $0xFFFF  }
0x43: {  	[sflag:s0] =	ssyncadd.tile.s32 @!p0 $0x1;
	_ =	shalt  }
.Lfunc_end1:
_tile_overlayer_lowered:
.L_overlay_start_2:
0x44: {  	(tag) =	ssettag $0x2  }
0x45: {  	s0 =	rddreg [dreg:$0x0];
	s2 =	stileid.u32  }
0x46: {  	s1 =	rddreg [dreg:$0x1];
	p0 =	sne.s32 s2, $0x0  }
0x47: {  	s3 =	rddreg [dreg:$0x2];
	[bflag:$0x3] =	sbarrier.arrive $0xFFFF;
	s2 =	simm.s32 @!p0 $0x1C01  }
0x48: {  	[timem:s3], [sflag:s2] =	dma.local @!p0 [hbm:s0], s1  }
0x49: {  	s0 =	simm.s32 @!p0 $0x1  }
0x4a: {  	_ =	swait.ge @!p0 [sflag:s0], s1  }
0x4b: {  	s1 =	ssub.s32 @!p0 $0x0, s1;
	[sflag:s0] =	ssyncset.done @!p0 $0x0  }
0x4c: {  	[sflag:s0] =	ssyncadd.s32 @!p0 s1  }
0x4d: {  	[bflag:$0x3] =	sbarrier.arrive $0xFFFF  }
0x4e: {  	_ =	shalt  }

</sc_bundles>
